<compile_context>
chip_gen: v7x
topology: tpu7x:2x2x1
jax: 0.10.2.dev20260603
libtpu: 0.0.44.dev20260713+nightly
codegen_flags: <defaults>
</compile_context>

<pallas_src>
import functools

import jax
import jax.numpy as jnp
from jax import lax
from jax.experimental import pallas as pl
from jax.experimental.pallas import tpu as pltpu
from jax.experimental.pallas import tpu_sc as plsc

N = 10000
E = 320000
D = 128

NC = 2
NS = 16
NW = NC * NS
EW = E // NW
CH = 80
NCH = EW // CH
NH = N // NC
ET = E // NS
NCH_T = ET // CH
ACC_ROWS = NH + CH
RPT = 312
RPT_LAST = NH - (NS - 1) * RPT

_sc_mesh = plsc.VectorSubcoreMesh(core_axis_name="c", subcore_axis_name="s")
_sc_params = pltpu.CompilerParams(needs_layout_passes=False)



@functools.partial(
    pl.kernel,
    out_type=jax.ShapeDtypeStruct((NW * N,), jnp.float32),
    mesh=_sc_mesh,
    compiler_params=_sc_params,
    scratch_types=[
        pltpu.VMEM((CH,), jnp.int32),
        pltpu.VMEM((N,), jnp.float32),
    ],
)
def _deg_kernel(dst_hbm, out_hbm, idx_v, bins_v):
    cid = lax.axis_index("c")
    sid = lax.axis_index("s")
    wid = cid * NS + sid
    zero16 = jnp.zeros((16,), jnp.float32)
    one16 = jnp.ones((16,), jnp.float32)

    @pl.loop(0, N // 16)
    def _zero(i):
        bins_v[pl.ds(i * 16, 16)] = zero16

    @pl.loop(0, NCH)
    def _chunks(i):
        base = wid * EW + i * CH
        pltpu.sync_copy(dst_hbm.at[pl.ds(base, CH)], idx_v)
        for j in range(CH // 16):
            idx16 = idx_v[pl.ds(j * 16, 16)]
            plsc.addupdate_scatter(bins_v, [idx16], one16)

    pltpu.sync_copy(bins_v, out_hbm.at[pl.ds(wid * N, N)])



def _dis_body(degp_ref, out_ref):
    deg = jnp.sum(degp_ref[...], axis=0)
    dis = jnp.where(deg > 0, lax.rsqrt(jnp.maximum(deg, 1e-12)), 0.0)
    out_ref[...] = jnp.broadcast_to(dis[:, None], (N, D))


def _dis_bcast(degp):
    return pl.pallas_call(
        _dis_body,
        out_shape=jax.ShapeDtypeStruct((N, D), jnp.float32),
    )(degp)



_RB = 1000


def _scale_body(nh_ref, dis_ref, out_ref):
    out_ref[...] = nh_ref[...] * dis_ref[...]


def _scale(nh, dis_b):
    return pl.pallas_call(
        _scale_body,
        grid=(N // _RB,),
        in_specs=[
            pl.BlockSpec((_RB, D), lambda i: (i, 0)),
            pl.BlockSpec((_RB, D), lambda i: (i, 0)),
        ],
        out_specs=pl.BlockSpec((_RB, D), lambda i: (i, 0)),
        out_shape=jax.ShapeDtypeStruct((N, D), jnp.float32),
    )(nh, dis_b)



@functools.partial(
    pl.kernel,
    out_type=jax.ShapeDtypeStruct((N, D), jnp.float32),
    mesh=_sc_mesh,
    compiler_params=_sc_params,
    scratch_types=[
        pltpu.VMEM((CH,), jnp.int32),
        pltpu.VMEM((CH,), jnp.int32),
        pltpu.VMEM((CH,), jnp.int32),
        pltpu.VMEM((CH, D), jnp.float32),
        pltpu.VMEM((RPT_LAST, D), jnp.float32),
        pltpu.VMEM_SHARED((ACC_ROWS, D), jnp.float32),
        pltpu.SemaphoreType.DMA,
    ],
)
def _agg_kernel(nhs_hbm, src_hbm, dst_hbm, out_hbm,
                idxs_v, idxd_v, idxl_v, rows_v, zbuf_v, acc_sh, sem):
    cid = lax.axis_index("c")
    sid = lax.axis_index("s")
    zero16 = jnp.zeros((16,), jnp.float32)
    iota16 = lax.iota(jnp.int32, 16)
    lo = cid * NH

    @pl.loop(0, RPT_LAST)
    def _zero(r):
        for j in range(D // 16):
            zbuf_v[r, pl.ds(j * 16, 16)] = zero16

    @pl.when(sid < NS - 1)
    def _():
        pltpu.sync_copy(zbuf_v.at[pl.ds(0, RPT)], acc_sh.at[pl.ds(sid * RPT, RPT)])

    @pl.when(sid == NS - 1)
    def _():
        pltpu.sync_copy(zbuf_v, acc_sh.at[pl.ds((NS - 1) * RPT, RPT_LAST)])
        pltpu.sync_copy(zbuf_v.at[pl.ds(0, CH)], acc_sh.at[pl.ds(NH, CH)])

    plsc.subcore_barrier()

    @pl.loop(0, NCH_T)
    def _chunks(i):
        base = sid * ET + i * CH
        pltpu.sync_copy(src_hbm.at[pl.ds(base, CH)], idxs_v)
        pltpu.sync_copy(dst_hbm.at[pl.ds(base, CH)], idxd_v)
        for j in range(CH // 16):
            d16 = idxd_v[pl.ds(j * 16, 16)]
            loc = d16 - lo
            in_range = (d16 >= lo) & (loc < NH)
            idxl_v[pl.ds(j * 16, 16)] = jnp.where(
                in_range, loc, NH + j * 16 + iota16)
        pltpu.async_copy(nhs_hbm.at[idxs_v], rows_v, sem).wait()
        pltpu.sync_copy(rows_v, acc_sh.at[idxl_v], add=True)

    plsc.subcore_barrier()

    @pl.when(sid < NS - 1)
    def _():
        pltpu.sync_copy(acc_sh.at[pl.ds(sid * RPT, RPT)],
                        out_hbm.at[pl.ds(lo + sid * RPT, RPT)])

    @pl.when(sid == NS - 1)
    def _():
        pltpu.sync_copy(acc_sh.at[pl.ds((NS - 1) * RPT, RPT_LAST)],
                        out_hbm.at[pl.ds(lo + (NS - 1) * RPT, RPT_LAST)])



def _mlp_body(agg_ref, dis_ref, W1_ref, b1_ref, W2_ref, b2_ref, out_ref):
    nh_ = agg_ref[...] * dis_ref[...]
    h = jnp.maximum(
        jnp.dot(nh_, W1_ref[...], preferred_element_type=jnp.float32)
        + b1_ref[...], 0.0)
    out_ref[...] = (
        jnp.dot(h, W2_ref[...], preferred_element_type=jnp.float32)
        + b2_ref[...])


def _mlp(agg, dis_b, W1, b1, W2, b2):
    return pl.pallas_call(
        _mlp_body,
        grid=(N // _RB,),
        in_specs=[
            pl.BlockSpec((_RB, D), lambda i: (i, 0)),
            pl.BlockSpec((_RB, D), lambda i: (i, 0)),
            pl.BlockSpec((D, D), lambda i: (0, 0)),
            pl.BlockSpec((1, D), lambda i: (0, 0)),
            pl.BlockSpec((D, D), lambda i: (0, 0)),
            pl.BlockSpec((1, D), lambda i: (0, 0)),
        ],
        out_specs=pl.BlockSpec((_RB, D), lambda i: (i, 0)),
        out_shape=jax.ShapeDtypeStruct((N, D), jnp.float32),
    )(agg, dis_b, W1, b1, W2, b2)



def kernel(nh, eh, edge_index, W1, b1, W2, b2):
    src = edge_index[0]
    dst = edge_index[1]
    degp = _deg_kernel(dst).reshape(NW, N)
    dis_b = _dis_bcast(degp)
    nhs = _scale(nh, dis_b)
    agg = _agg_kernel(nhs, src, dst)
    out = _mlp(agg, dis_b, W1, b1.reshape(1, D), W2, b2.reshape(1, D))
    return (out, eh)

# --- scband reference (transcript-rebuilt; emitter-appended) ---
"""Pipeline reference for scband-gcnlayer-6665789243397 (READ-ONLY COPY).

The authoritative reference and input builder live on the scoring server;
editing this copy changes nothing except your own understanding.
"""

import jax, jax.numpy as jnp
import numpy as np

N = 10000
E = 320000
D_IN = 128
D_HID = 128
D_OUT = 128
D_EDGE = 16


def setup_inputs(seed: int = 0) -> dict:
    key = jax.random.key(seed)
    k1, k2, k3, k4, k5, k6, k7 = jax.random.split(key, 7)
    nh = jax.random.normal(k1, (N, D_IN), dtype=jnp.float32)
    eh = jax.random.normal(k2, (E, D_EDGE), dtype=jnp.float32)
    edge_index = jax.random.randint(k3, (2, E), 0, N, dtype=jnp.int32)
    # build_layer(input_dim, hidden_dim, output_dim, layer_num=2, 'relu', bias=True):
    # Linear(D_IN, D_HID) -> ReLU -> Linear(D_HID, D_OUT)
    W1 = jax.random.normal(k4, (D_IN, D_HID), dtype=jnp.float32) * 0.05
    b1 = jax.random.normal(k5, (D_HID,), dtype=jnp.float32) * 0.05
    W2 = jax.random.normal(k6, (D_HID, D_OUT), dtype=jnp.float32) * 0.05
    b2 = jax.random.normal(k7, (D_OUT,), dtype=jnp.float32) * 0.05
    return {"nh": nh, "eh": eh, "edge_index": edge_index,
            "W1": W1, "b1": b1, "W2": W2, "b2": b2}


def reference(nh, eh, edge_index, W1, b1, W2, b2):
    src = edge_index[0]
    dst = edge_index[1]
    n = nh.shape[0]
    ones = jnp.ones((dst.shape[0],), dtype=nh.dtype)
    deg = jax.ops.segment_sum(ones, dst, num_segments=n)
    # deg.pow(-0.5); inf (from deg==0) replaced with 0
    deg_inv_sqrt = jnp.where(deg > 0, jax.lax.rsqrt(jnp.maximum(deg, 1e-12)), 0.0)
    msg = nh[src]
    n_msg = msg * deg_inv_sqrt[src][:, None]
    n_h = jax.ops.segment_sum(n_msg, dst, num_segments=n)
    n_h = n_h * deg_inv_sqrt[:, None]
    # nf_lin MLP: Linear -> ReLU -> Linear (dropout=0.0 is identity)
    h = jnp.maximum(n_h @ W1 + b1, 0.0)
    n_h = h @ W2 + b2
    e_h = eh
    return (n_h, e_h)

if __name__ == "__main__":
    import jax
    _d = setup_inputs()
    print(jax.jit(kernel)(*tuple(_d.values())))

</pallas_src>

<mosaic_0001>
#map = affine_map<(d0, d1) -> (0)>
module attributes {stable_mosaic.version = 14 : i64} {
  func.func @_deg_kernel(%arg0: i32, %arg1: i32, %arg2: memref<320000xi32, #tpu.memory_space<hbm>>, %arg3: memref<320000xf32, #tpu.memory_space<hbm>>, %arg4: memref<80xi32, #tpu.memory_space<vmem>>, %arg5: memref<10000xf32, #tpu.memory_space<vmem>>) attributes {dimension_semantics = [#tpu.dimension_semantics<core_parallel>, #tpu.dimension_semantics<subcore_parallel>], iteration_bounds = array<i64: 2, 16>, scalar_prefetch = 0 : i64, scratch_operands = 2 : i64, tpu.core_type = #tpu.core_type<sc_vector_subcore>, window_params = [{transform_indices = #map}, {transform_indices = #map}]} {
    %mul3A = arith.constant 16 : i32
    %mul3A_0 = arith.muli %arg0, %mul3A : i32
    %add3A = arith.addi %mul3A_0, %arg1 : i32
    %broadcast_in_dim3A = arith.constant 0.000000e+00 : f32
    %broadcast_in_dim3A_1 = vector.broadcast %broadcast_in_dim3A : f32 to vector<16xf32>
    %broadcast_in_dim3A_2 = arith.constant 1.000000e+00 : f32
    %broadcast_in_dim3A_3 = vector.broadcast %broadcast_in_dim3A_2 : f32 to vector<16xf32>
    %scan3A = arith.constant 0 : i32
    %scan3A_4 = arith.constant 625 : i32
    %scan3A_5 = arith.addi %scan3A, %scan3A_4 : i32
    %scan3A_6 = arith.constant 1 : i32
    scf.for %scan3A_15 = %scan3A to %scan3A_5 step %scan3A_6  : i32 {
      %mul3A_16 = arith.constant 1 : i32
      %mul3A_17 = arith.muli %scan3A_15, %mul3A_16 : i32
      %add3A_18 = arith.constant 0 : i32
      %add3A_19 = arith.addi %add3A_18, %mul3A_17 : i32
      %mul3A_20 = arith.constant 16 : i32
      %mul3A_21 = arith.muli %add3A_19, %mul3A_20 : i32
      %swap3A = arith.index_cast %mul3A_21 : i32 to index
      %swap3A_22 = tpu.vector_load %arg5[%swap3A] {strides = array<i32>} : memref<10000xf32, #tpu.memory_space<vmem>>, vector<16xf32>,
      tpu.vector_store %arg5[%swap3A], %broadcast_in_dim3A_1 {strides = array<i32>} : memref<10000xf32, #tpu.memory_space<vmem>>, vector<16xf32>,
    }
    %scan3A_7 = arith.constant 625 : i32
    %scan3A_8 = arith.constant 0 : i32
    %scan3A_9 = arith.constant 125 : i32
    %scan3A_10 = arith.addi %scan3A_8, %scan3A_9 : i32
    %scan3A_11 = arith.constant 1 : i32
    scf.for %scan3A_15 = %scan3A_8 to %scan3A_10 step %scan3A_11  : i32 {
      %mul3A_16 = arith.constant 1 : i32
      %mul3A_17 = arith.muli %scan3A_15, %mul3A_16 : i32
      %add3A_18 = arith.constant 0 : i32
      %add3A_19 = arith.addi %add3A_18, %mul3A_17 : i32
      %mul3A_20 = arith.constant 10000 : i32
      %mul3A_21 = arith.muli %add3A, %mul3A_20 : i32
      %mul3A_22 = arith.constant 80 : i32
      %mul3A_23 = arith.muli %add3A_19, %mul3A_22 : i32
      %add3A_24 = arith.addi %mul3A_21, %mul3A_23 : i32
      "tpu.region"() ({
        %run_scoped3A = tpu.sem_alloc : memref<!tpu.dma_semaphore, #tpu.memory_space<semaphore_mem>>
        %dma_start3A = tpu.memref_slice %arg2[%add3A_24] : memref<320000xi32, #tpu.memory_space<hbm>> -> memref<80xi32, #tpu.memory_space<hbm>>
        %dma_start3A_34 = tpu.memref_slice %arg2[%add3A_24] : memref<320000xi32, #tpu.memory_space<hbm>> -> memref<80xi32, #tpu.memory_space<hbm>>
        tpu.enqueue_dma source(%dma_start3A_34 : memref<80xi32, #tpu.memory_space<hbm>>) target(%arg4 : memref<80xi32, #tpu.memory_space<vmem>>) target_semaphore(%run_scoped3A : memref<!tpu.dma_semaphore, #tpu.memory_space<semaphore_mem>>)
        %dma_wait3A = tpu.memref_slice %arg2[%add3A_24] : memref<320000xi32, #tpu.memory_space<hbm>> -> memref<80xi32, #tpu.memory_space<hbm>>
        %dma_wait3A_35 = tpu.memref_slice %arg2[%add3A_24] : memref<320000xi32, #tpu.memory_space<hbm>> -> memref<80xi32, #tpu.memory_space<hbm>>
        tpu.wait_dma2 semaphore(%run_scoped3A : memref<!tpu.dma_semaphore, #tpu.memory_space<semaphore_mem>>) src(%dma_wait3A_35 : memref<80xi32, #tpu.memory_space<hbm>>) dst(%arg4 : memref<80xi32, #tpu.memory_space<vmem>>)
        tpu.yield
      }) : () -> ()
      %get3A = arith.constant 0 : index
      %get3A_25 = tpu.vector_load %arg4[%get3A] {strides = array<i32>} : memref<80xi32, #tpu.memory_space<vmem>>, vector<16xi32>,
      tpu.vector_store_idx %arg5[%get3A_25], %broadcast_in_dim3A_3 {add = true} : memref<10000xf32, #tpu.memory_space<vmem>>[vector<16xi32>], vector<16xf32>,
      %get3A_26 = arith.constant 16 : index
      %get3A_27 = tpu.vector_load %arg4[%get3A_26] {strides = array<i32>} : memref<80xi32, #tpu.memory_space<vmem>>, vector<16xi32>,
      tpu.vector_store_idx %arg5[%get3A_27], %broadcast_in_dim3A_3 {add = true} : memref<10000xf32, #tpu.memory_space<vmem>>[vector<16xi32>], vector<16xf32>,
      %get3A_28 = arith.constant 32 : index
      %get3A_29 = tpu.vector_load %arg4[%get3A_28] {strides = array<i32>} : memref<80xi32, #tpu.memory_space<vmem>>, vector<16xi32>,
      tpu.vector_store_idx %arg5[%get3A_29], %broadcast_in_dim3A_3 {add = true} : memref<10000xf32, #tpu.memory_space<vmem>>[vector<16xi32>], vector<16xf32>,
      %get3A_30 = arith.constant 48 : index
      %get3A_31 = tpu.vector_load %arg4[%get3A_30] {strides = array<i32>} : memref<80xi32, #tpu.memory_space<vmem>>, vector<16xi32>,
      tpu.vector_store_idx %arg5[%get3A_31], %broadcast_in_dim3A_3 {add = true} : memref<10000xf32, #tpu.memory_space<vmem>>[vector<16xi32>], vector<16xf32>,
      %get3A_32 = arith.constant 64 : index
      %get3A_33 = tpu.vector_load %arg4[%get3A_32] {strides = array<i32>} : memref<80xi32, #tpu.memory_space<vmem>>, vector<16xi32>,
      tpu.vector_store_idx %arg5[%get3A_33], %broadcast_in_dim3A_3 {add = true} : memref<10000xf32, #tpu.memory_space<vmem>>[vector<16xi32>], vector<16xf32>,
    }
    %scan3A_12 = arith.constant 125 : i32
    %mul3A_13 = arith.constant 10000 : i32
    %mul3A_14 = arith.muli %add3A, %mul3A_13 : i32
    "tpu.region"() ({
      %run_scoped3A = tpu.sem_alloc : memref<!tpu.dma_semaphore, #tpu.memory_space<semaphore_mem>>
      %dma_start3A = tpu.memref_slice %arg3[%mul3A_14] : memref<320000xf32, #tpu.memory_space<hbm>> -> memref<10000xf32, #tpu.memory_space<hbm>>
      %dma_start3A_15 = tpu.memref_slice %arg3[%mul3A_14] : memref<320000xf32, #tpu.memory_space<hbm>> -> memref<10000xf32, #tpu.memory_space<hbm>>
      tpu.enqueue_dma source(%arg5 : memref<10000xf32, #tpu.memory_space<vmem>>) target(%dma_start3A_15 : memref<10000xf32, #tpu.memory_space<hbm>>) target_semaphore(%run_scoped3A : memref<!tpu.dma_semaphore, #tpu.memory_space<semaphore_mem>>)
      %dma_wait3A = tpu.memref_slice %arg3[%mul3A_14] : memref<320000xf32, #tpu.memory_space<hbm>> -> memref<10000xf32, #tpu.memory_space<hbm>>
      %dma_wait3A_16 = tpu.memref_slice %arg3[%mul3A_14] : memref<320000xf32, #tpu.memory_space<hbm>> -> memref<10000xf32, #tpu.memory_space<hbm>>
      tpu.wait_dma2 semaphore(%run_scoped3A : memref<!tpu.dma_semaphore, #tpu.memory_space<semaphore_mem>>) src(%arg5 : memref<10000xf32, #tpu.memory_space<vmem>>) dst(%dma_wait3A_16 : memref<10000xf32, #tpu.memory_space<hbm>>)
      tpu.yield
    }) : () -> ()
    return
  }
}

#map = affine_map<(d0, d1) -> (0, 0)>
#map1 = affine_map<(d0, d1) -> (0)>
module attributes {stable_mosaic.version = 14 : i64} {
  func.func @_agg_kernel(%arg0: i32, %arg1: i32, %arg2: memref<10000x128xf32, #tpu.memory_space<hbm>>, %arg3: memref<320000xi32, #tpu.memory_space<hbm>>, %arg4: memref<320000xi32, #tpu.memory_space<hbm>>, %arg5: memref<10000x128xf32, #tpu.memory_space<hbm>>, %arg6: memref<80xi32, #tpu.memory_space<vmem>>, %arg7: memref<80xi32, #tpu.memory_space<vmem>>, %arg8: memref<80xi32, #tpu.memory_space<vmem>>, %arg9: memref<80x128xf32, #tpu.memory_space<vmem>>, %arg10: memref<320x128xf32, #tpu.memory_space<vmem>>, %arg11: memref<5080x128xf32, #tpu.memory_space<vmem_shared>>, %arg12: memref<!tpu.dma_semaphore, #tpu.memory_space<semaphore_mem>>) attributes {dimension_semantics = [#tpu.dimension_semantics<core_parallel>, #tpu.dimension_semantics<subcore_parallel>], iteration_bounds = array<i64: 2, 16>, scalar_prefetch = 0 : i64, scratch_operands = 7 : i64, tpu.core_type = #tpu.core_type<sc_vector_subcore>, window_params = [{transform_indices = #map}, {transform_indices = #map1}, {transform_indices = #map1}, {transform_indices = #map}]} {
    %broadcast_in_dim3A = arith.constant 0.000000e+00 : f32
    %broadcast_in_dim3A_0 = vector.broadcast %broadcast_in_dim3A : f32 to vector<16xf32>
    %iota3A = tpu.iota {dimensions = array<i32: 0>} : vector<16xi32>
    %mul3A = arith.constant 5000 : i32
    %mul3A_1 = arith.muli %arg0, %mul3A : i32
    %scan3A = arith.constant 0 : i32
    %scan3A_2 = arith.constant 320 : i32
    %scan3A_3 = arith.addi %scan3A, %scan3A_2 : i32
    %scan3A_4 = arith.constant 1 : i32
    scf.for %scan3A_28 = %scan3A to %scan3A_3 step %scan3A_4  : i32 {
      %mul3A_29 = arith.constant 1 : i32
      %mul3A_30 = arith.muli %scan3A_28, %mul3A_29 : i32
      %add3A = arith.constant 0 : i32
      %add3A_31 = arith.addi %add3A, %mul3A_30 : i32
      %swap3A = arith.index_cast %add3A_31 : i32 to index
      %swap3A_32 = arith.constant 0 : index
      %swap3A_33 = tpu.vector_load %arg10[%swap3A, %swap3A_32] {strides = array<i32>} : memref<320x128xf32, #tpu.memory_space<vmem>>, vector<16xf32>,
      tpu.vector_store %arg10[%swap3A, %swap3A_32], %broadcast_in_dim3A_0 {strides = array<i32>} : memref<320x128xf32, #tpu.memory_space<vmem>>, vector<16xf32>,
      %swap3A_34 = arith.index_cast %add3A_31 : i32 to index
      %swap3A_35 = arith.constant 16 : index
      %swap3A_36 = tpu.vector_load %arg10[%swap3A_34, %swap3A_35] {strides = array<i32>} : memref<320x128xf32, #tpu.memory_space<vmem>>, vector<16xf32>,
      tpu.vector_store %arg10[%swap3A_34, %swap3A_35], %broadcast_in_dim3A_0 {strides = array<i32>} : memref<320x128xf32, #tpu.memory_space<vmem>>, vector<16xf32>,
      %swap3A_37 = arith.index_cast %add3A_31 : i32 to index
      %swap3A_38 = arith.constant 32 : index
      %swap3A_39 = tpu.vector_load %arg10[%swap3A_37, %swap3A_38] {strides = array<i32>} : memref<320x128xf32, #tpu.memory_space<vmem>>, vector<16xf32>,
      tpu.vector_store %arg10[%swap3A_37, %swap3A_38], %broadcast_in_dim3A_0 {strides = array<i32>} : memref<320x128xf32, #tpu.memory_space<vmem>>, vector<16xf32>,
      %swap3A_40 = arith.index_cast %add3A_31 : i32 to index
      %swap3A_41 = arith.constant 48 : index
      %swap3A_42 = tpu.vector_load %arg10[%swap3A_40, %swap3A_41] {strides = array<i32>} : memref<320x128xf32, #tpu.memory_space<vmem>>, vector<16xf32>,
      tpu.vector_store %arg10[%swap3A_40, %swap3A_41], %broadcast_in_dim3A_0 {strides = array<i32>} : memref<320x128xf32, #tpu.memory_space<vmem>>, vector<16xf32>,
      %swap3A_43 = arith.index_cast %add3A_31 : i32 to index
      %swap3A_44 = arith.constant 64 : index
      %swap3A_45 = tpu.vector_load %arg10[%swap3A_43, %swap3A_44] {strides = array<i32>} : memref<320x128xf32, #tpu.memory_space<vmem>>, vector<16xf32>,
      tpu.vector_store %arg10[%swap3A_43, %swap3A_44], %broadcast_in_dim3A_0 {strides = array<i32>} : memref<320x128xf32, #tpu.memory_space<vmem>>, vector<16xf32>,
      %swap3A_46 = arith.index_cast %add3A_31 : i32 to index
      %swap3A_47 = arith.constant 80 : index
      %swap3A_48 = tpu.vector_load %arg10[%swap3A_46, %swap3A_47] {strides = array<i32>} : memref<320x128xf32, #tpu.memory_space<vmem>>, vector<16xf32>,
      tpu.vector_store %arg10[%swap3A_46, %swap3A_47], %broadcast_in_dim3A_0 {strides = array<i32>} : memref<320x128xf32, #tpu.memory_space<vmem>>, vector<16xf32>,
      %swap3A_49 = arith.index_cast %add3A_31 : i32 to index
      %swap3A_50 = arith.constant 96 : index
      %swap3A_51 = tpu.vector_load %arg10[%swap3A_49, %swap3A_50] {strides = array<i32>} : memref<320x128xf32, #tpu.memory_space<vmem>>, vector<16xf32>,
      tpu.vector_store %arg10[%swap3A_49, %swap3A_50], %broadcast_in_dim3A_0 {strides = array<i32>} : memref<320x128xf32, #tpu.memory_space<vmem>>, vector<16xf32>,
      %swap3A_52 = arith.index_cast %add3A_31 : i32 to index
      %swap3A_53 = arith.constant 112 : index
      %swap3A_54 = tpu.vector_load %arg10[%swap3A_52, %swap3A_53] {strides = array<i32>} : memref<320x128xf32, #tpu.memory_space<vmem>>, vector<16xf32>,
      tpu.vector_store %arg10[%swap3A_52, %swap3A_53], %broadcast_in_dim3A_0 {strides = array<i32>} : memref<320x128xf32, #tpu.memory_space<vmem>>, vector<16xf32>,
    }
    %scan3A_5 = arith.constant 320 : i32
    %lt3A = arith.constant 15 : i32
    %lt3A_6 = arith.cmpi slt, %arg1, %lt3A : i32
    %convert_element_type3A = arith.extui %lt3A_6 : i1 to i32
    %cond3A = arith.constant 0 : i32
    %cond3A_7 = arith.cmpi ne, %convert_element_type3A, %cond3A : i32
    scf.if %cond3A_7 {
      %mul3A_28 = arith.constant 312 : i32
      %mul3A_29 = arith.muli %arg1, %mul3A_28 : i32
      "tpu.region"() ({
        %run_scoped3A = tpu.sem_alloc : memref<!tpu.dma_semaphore, #tpu.memory_space<semaphore_mem>>
        %dma_start3A = arith.constant 0 : i32
        %dma_start3A_30 = arith.constant 0 : i32
        %dma_start3A_31 = tpu.memref_slice %arg10[%dma_start3A, %dma_start3A_30] : memref<320x128xf32, #tpu.memory_space<vmem>> -> memref<312x128xf32, #tpu.memory_space<vmem>>
        %dma_start3A_32 = arith.constant 0 : i32
        %dma_start3A_33 = tpu.memref_slice %arg11[%mul3A_29, %dma_start3A_32] : memref<5080x128xf32, #tpu.memory_space<vmem_shared>> -> memref<312x128xf32, #tpu.memory_space<vmem_shared>>
        %dma_start3A_34 = arith.constant 0 : i32
        %dma_start3A_35 = tpu.memref_slice %arg11[%mul3A_29, %dma_start3A_34] : memref<5080x128xf32, #tpu.memory_space<vmem_shared>> -> memref<312x128xf32, #tpu.memory_space<vmem_shared>>
        %dma_start3A_36 = arith.constant 0 : i32
        %dma_start3A_37 = arith.constant 0 : i32
        %dma_start3A_38 = tpu.memref_slice %arg10[%dma_start3A_36, %dma_start3A_37] : memref<320x128xf32, #tpu.memory_space<vmem>> -> memref<312x128xf32, #tpu.memory_space<vmem>>
        tpu.enqueue_dma source(%dma_start3A_38 : memref<312x128xf32, #tpu.memory_space<vmem>>) target(%dma_start3A_35 : memref<312x128xf32, #tpu.memory_space<vmem_shared>>) target_semaphore(%run_scoped3A : memref<!tpu.dma_semaphore, #tpu.memory_space<semaphore_mem>>)
        %dma_wait3A = arith.constant 0 : i32
        %dma_wait3A_39 = arith.constant 0 : i32
        %dma_wait3A_40 = tpu.memref_slice %arg10[%dma_wait3A, %dma_wait3A_39] : memref<320x128xf32, #tpu.memory_space<vmem>> -> memref<312x128xf32, #tpu.memory_space<vmem>>
        %dma_wait3A_41 = arith.constant 0 : i32
        %dma_wait3A_42 = tpu.memref_slice %arg11[%mul3A_29, %dma_wait3A_41] : memref<5080x128xf32, #tpu.memory_space<vmem_shared>> -> memref<312x128xf32, #tpu.memory_space<vmem_shared>>
        %dma_wait3A_43 = arith.constant 0 : i32
        %dma_wait3A_44 = tpu.memref_slice %arg11[%mul3A_29, %dma_wait3A_43] : memref<5080x128xf32, #tpu.memory_space<vmem_shared>> -> memref<312x128xf32, #tpu.memory_space<vmem_shared>>
        %dma_wait3A_45 = arith.constant 0 : i32
        %dma_wait3A_46 = arith.constant 0 : i32
        %dma_wait3A_47 = tpu.memref_slice %arg10[%dma_wait3A_45, %dma_wait3A_46] : memref<320x128xf32, #tpu.memory_space<vmem>> -> memref<312x128xf32, #tpu.memory_space<vmem>>
        tpu.wait_dma2 semaphore(%run_scoped3A : memref<!tpu.dma_semaphore, #tpu.memory_space<semaphore_mem>>) src(%dma_wait3A_47 : memref<312x128xf32, #tpu.memory_space<vmem>>) dst(%dma_wait3A_44 : memref<312x128xf32, #tpu.memory_space<vmem_shared>>)
        tpu.yield
      }) : () -> ()
    } else {
    }
    %eq3A = arith.constant 15 : i32
    %eq3A_8 = arith.cmpi eq, %arg1, %eq3A : i32
    %convert_element_type3A_9 = arith.extui %eq3A_8 : i1 to i32
    %cond3A_10 = arith.constant 0 : i32
    %cond3A_11 = arith.cmpi ne, %convert_element_type3A_9, %cond3A_10 : i32
    scf.if %cond3A_11 {
      "tpu.region"() ({
        %run_scoped3A = tpu.sem_alloc : memref<!tpu.dma_semaphore, #tpu.memory_space<semaphore_mem>>
        %dma_start3A = arith.constant 4680 : i32
        %dma_start3A_28 = arith.constant 0 : i32
        %dma_start3A_29 = tpu.memref_slice %arg11[%dma_start3A, %dma_start3A_28] : memref<5080x128xf32, #tpu.memory_space<vmem_shared>> -> memref<320x128xf32, #tpu.memory_space<vmem_shared>>
        %dma_start3A_30 = arith.constant 4680 : i32
        %dma_start3A_31 = arith.constant 0 : i32
        %dma_start3A_32 = tpu.memref_slice %arg11[%dma_start3A_30, %dma_start3A_31] : memref<5080x128xf32, #tpu.memory_space<vmem_shared>> -> memref<320x128xf32, #tpu.memory_space<vmem_shared>>
        tpu.enqueue_dma source(%arg10 : memref<320x128xf32, #tpu.memory_space<vmem>>) target(%dma_start3A_32 : memref<320x128xf32, #tpu.memory_space<vmem_shared>>) target_semaphore(%run_scoped3A : memref<!tpu.dma_semaphore, #tpu.memory_space<semaphore_mem>>)
        %dma_wait3A = arith.constant 4680 : i32
        %dma_wait3A_33 = arith.constant 0 : i32
        %dma_wait3A_34 = tpu.memref_slice %arg11[%dma_wait3A, %dma_wait3A_33] : memref<5080x128xf32, #tpu.memory_space<vmem_shared>> -> memref<320x128xf32, #tpu.memory_space<vmem_shared>>
        %dma_wait3A_35 = arith.constant 4680 : i32
        %dma_wait3A_36 = arith.constant 0 : i32
        %dma_wait3A_37 = tpu.memref_slice %arg11[%dma_wait3A_35, %dma_wait3A_36] : memref<5080x128xf32, #tpu.memory_space<vmem_shared>> -> memref<320x128xf32, #tpu.memory_space<vmem_shared>>
        tpu.wait_dma2 semaphore(%run_scoped3A : memref<!tpu.dma_semaphore, #tpu.memory_space<semaphore_mem>>) src(%arg10 : memref<320x128xf32, #tpu.memory_space<vmem>>) dst(%dma_wait3A_37 : memref<320x128xf32, #tpu.memory_space<vmem_shared>>)
        tpu.yield
      }) : () -> ()
      "tpu.region"() ({
        %run_scoped3A = tpu.sem_alloc : memref<!tpu.dma_semaphore, #tpu.memory_space<semaphore_mem>>
        %dma_start3A = arith.constant 0 : i32
        %dma_start3A_28 = arith.constant 0 : i32
        %dma_start3A_29 = tpu.memref_slice %arg10[%dma_start3A, %dma_start3A_28] : memref<320x128xf32, #tpu.memory_space<vmem>> -> memref<80x128xf32, #tpu.memory_space<vmem>>
        %dma_start3A_30 = arith.constant 5000 : i32
        %dma_start3A_31 = arith.constant 0 : i32
        %dma_start3A_32 = tpu.memref_slice %arg11[%dma_start3A_30, %dma_start3A_31] : memref<5080x128xf32, #tpu.memory_space<vmem_shared>> -> memref<80x128xf32, #tpu.memory_space<vmem_shared>>
        %dma_start3A_33 = arith.constant 5000 : i32
        %dma_start3A_34 = arith.constant 0 : i32
        %dma_start3A_35 = tpu.memref_slice %arg11[%dma_start3A_33, %dma_start3A_34] : memref<5080x128xf32, #tpu.memory_space<vmem_shared>> -> memref<80x128xf32, #tpu.memory_space<vmem_shared>>
        %dma_start3A_36 = arith.constant 0 : i32
        %dma_start3A_37 = arith.constant 0 : i32
        %dma_start3A_38 = tpu.memref_slice %arg10[%dma_start3A_36, %dma_start3A_37] : memref<320x128xf32, #tpu.memory_space<vmem>> -> memref<80x128xf32, #tpu.memory_space<vmem>>
        tpu.enqueue_dma source(%dma_start3A_38 : memref<80x128xf32, #tpu.memory_space<vmem>>) target(%dma_start3A_35 : memref<80x128xf32, #tpu.memory_space<vmem_shared>>) target_semaphore(%run_scoped3A : memref<!tpu.dma_semaphore, #tpu.memory_space<semaphore_mem>>)
        %dma_wait3A = arith.constant 0 : i32
        %dma_wait3A_39 = arith.constant 0 : i32
        %dma_wait3A_40 = tpu.memref_slice %arg10[%dma_wait3A, %dma_wait3A_39] : memref<320x128xf32, #tpu.memory_space<vmem>> -> memref<80x128xf32, #tpu.memory_space<vmem>>
        %dma_wait3A_41 = arith.constant 5000 : i32
        %dma_wait3A_42 = arith.constant 0 : i32
        %dma_wait3A_43 = tpu.memref_slice %arg11[%dma_wait3A_41, %dma_wait3A_42] : memref<5080x128xf32, #tpu.memory_space<vmem_shared>> -> memref<80x128xf32, #tpu.memory_space<vmem_shared>>
        %dma_wait3A_44 = arith.constant 5000 : i32
        %dma_wait3A_45 = arith.constant 0 : i32
        %dma_wait3A_46 = tpu.memref_slice %arg11[%dma_wait3A_44, %dma_wait3A_45] : memref<5080x128xf32, #tpu.memory_space<vmem_shared>> -> memref<80x128xf32, #tpu.memory_space<vmem_shared>>
        %dma_wait3A_47 = arith.constant 0 : i32
        %dma_wait3A_48 = arith.constant 0 : i32
        %dma_wait3A_49 = tpu.memref_slice %arg10[%dma_wait3A_47, %dma_wait3A_48] : memref<320x128xf32, #tpu.memory_space<vmem>> -> memref<80x128xf32, #tpu.memory_space<vmem>>
        tpu.wait_dma2 semaphore(%run_scoped3A : memref<!tpu.dma_semaphore, #tpu.memory_space<semaphore_mem>>) src(%dma_wait3A_49 : memref<80x128xf32, #tpu.memory_space<vmem>>) dst(%dma_wait3A_46 : memref<80x128xf32, #tpu.memory_space<vmem_shared>>)
        tpu.yield
      }) : () -> ()
    } else {
    }
    %barrier3A = arith.constant 0 : index
    tpu.barrier barrier_id(%barrier3A)
    %scan3A_12 = arith.constant 0 : i32
    %scan3A_13 = arith.constant 250 : i32
    %scan3A_14 = arith.addi %scan3A_12, %scan3A_13 : i32
    %scan3A_15 = arith.constant 1 : i32
    scf.for %scan3A_28 = %scan3A_12 to %scan3A_14 step %scan3A_15  : i32 {
      %mul3A_29 = arith.constant 1 : i32
      %mul3A_30 = arith.muli %scan3A_28, %mul3A_29 : i32
      %add3A = arith.constant 0 : i32
      %add3A_31 = arith.addi %add3A, %mul3A_30 : i32
      %mul3A_32 = arith.constant 20000 : i32
      %mul3A_33 = arith.muli %arg1, %mul3A_32 : i32
      %mul3A_34 = arith.constant 80 : i32
      %mul3A_35 = arith.muli %add3A_31, %mul3A_34 : i32
      %add3A_36 = arith.addi %mul3A_33, %mul3A_35 : i32
      "tpu.region"() ({
        %run_scoped3A = tpu.sem_alloc : memref<!tpu.dma_semaphore, #tpu.memory_space<semaphore_mem>>
        %dma_start3A_115 = tpu.memref_slice %arg3[%add3A_36] : memref<320000xi32, #tpu.memory_space<hbm>> -> memref<80xi32, #tpu.memory_space<hbm>>
        %dma_start3A_116 = tpu.memref_slice %arg3[%add3A_36] : memref<320000xi32, #tpu.memory_space<hbm>> -> memref<80xi32, #tpu.memory_space<hbm>>
        tpu.enqueue_dma source(%dma_start3A_116 : memref<80xi32, #tpu.memory_space<hbm>>) target(%arg6 : memref<80xi32, #tpu.memory_space<vmem>>) target_semaphore(%run_scoped3A : memref<!tpu.dma_semaphore, #tpu.memory_space<semaphore_mem>>)
        %dma_wait3A_117 = tpu.memref_slice %arg3[%add3A_36] : memref<320000xi32, #tpu.memory_space<hbm>> -> memref<80xi32, #tpu.memory_space<hbm>>
        %dma_wait3A_118 = tpu.memref_slice %arg3[%add3A_36] : memref<320000xi32, #tpu.memory_space<hbm>> -> memref<80xi32, #tpu.memory_space<hbm>>
        tpu.wait_dma2 semaphore(%run_scoped3A : memref<!tpu.dma_semaphore, #tpu.memory_space<semaphore_mem>>) src(%dma_wait3A_118 : memref<80xi32, #tpu.memory_space<hbm>>) dst(%arg6 : memref<80xi32, #tpu.memory_space<vmem>>)
        tpu.yield
      }) : () -> ()
      "tpu.region"() ({
        %run_scoped3A = tpu.sem_alloc : memref<!tpu.dma_semaphore, #tpu.memory_space<semaphore_mem>>
        %dma_start3A_115 = tpu.memref_slice %arg4[%add3A_36] : memref<320000xi32, #tpu.memory_space<hbm>> -> memref<80xi32, #tpu.memory_space<hbm>>
        %dma_start3A_116 = tpu.memref_slice %arg4[%add3A_36] : memref<320000xi32, #tpu.memory_space<hbm>> -> memref<80xi32, #tpu.memory_space<hbm>>
        tpu.enqueue_dma source(%dma_start3A_116 : memref<80xi32, #tpu.memory_space<hbm>>) target(%arg7 : memref<80xi32, #tpu.memory_space<vmem>>) target_semaphore(%run_scoped3A : memref<!tpu.dma_semaphore, #tpu.memory_space<semaphore_mem>>)
        %dma_wait3A_117 = tpu.memref_slice %arg4[%add3A_36] : memref<320000xi32, #tpu.memory_space<hbm>> -> memref<80xi32, #tpu.memory_space<hbm>>
        %dma_wait3A_118 = tpu.memref_slice %arg4[%add3A_36] : memref<320000xi32, #tpu.memory_space<hbm>> -> memref<80xi32, #tpu.memory_space<hbm>>
        tpu.wait_dma2 semaphore(%run_scoped3A : memref<!tpu.dma_semaphore, #tpu.memory_space<semaphore_mem>>) src(%dma_wait3A_118 : memref<80xi32, #tpu.memory_space<hbm>>) dst(%arg7 : memref<80xi32, #tpu.memory_space<vmem>>)
        tpu.yield
      }) : () -> ()
      %get3A = arith.constant 0 : index
      %get3A_37 = tpu.vector_load %arg7[%get3A] {strides = array<i32>} : memref<80xi32, #tpu.memory_space<vmem>>, vector<16xi32>,
      %sub3A = vector.broadcast %mul3A_1 : i32 to vector<16xi32>
      %sub3A_38 = arith.subi %get3A_37, %sub3A : vector<16xi32>
      %ge3A = vector.broadcast %mul3A_1 : i32 to vector<16xi32>
      %ge3A_39 = arith.cmpi sge, %get3A_37, %ge3A : vector<16xi32>
      %lt3A_40 = arith.constant 5000 : i32
      %lt3A_41 = vector.broadcast %lt3A_40 : i32 to vector<16xi32>
      %lt3A_42 = arith.cmpi slt, %sub3A_38, %lt3A_41 : vector<16xi32>
      %and3A = arith.andi %ge3A_39, %lt3A_42 : vector<16xi1>
      %add3A_43 = arith.constant 5000 : i32
      %add3A_44 = vector.broadcast %add3A_43 : i32 to vector<16xi32>
      %add3A_45 = arith.addi %add3A_44, %iota3A : vector<16xi32>
      %select_n3A = arith.select %and3A, %sub3A_38, %add3A_45 : vector<16xi1>, vector<16xi32>
      %swap3A = arith.constant 0 : index
      %swap3A_46 = tpu.vector_load %arg8[%swap3A] {strides = array<i32>} : memref<80xi32, #tpu.memory_space<vmem>>, vector<16xi32>,
      tpu.vector_store %arg8[%swap3A], %select_n3A {strides = array<i32>} : memref<80xi32, #tpu.memory_space<vmem>>, vector<16xi32>,
      %get3A_47 = arith.constant 16 : index
      %get3A_48 = tpu.vector_load %arg7[%get3A_47] {strides = array<i32>} : memref<80xi32, #tpu.memory_space<vmem>>, vector<16xi32>,
      %sub3A_49 = vector.broadcast %mul3A_1 : i32 to vector<16xi32>
      %sub3A_50 = arith.subi %get3A_48, %sub3A_49 : vector<16xi32>
      %ge3A_51 = vector.broadcast %mul3A_1 : i32 to vector<16xi32>
      %ge3A_52 = arith.cmpi sge, %get3A_48, %ge3A_51 : vector<16xi32>
      %lt3A_53 = arith.constant 5000 : i32
      %lt3A_54 = vector.broadcast %lt3A_53 : i32 to vector<16xi32>
      %lt3A_55 = arith.cmpi slt, %sub3A_50, %lt3A_54 : vector<16xi32>
      %and3A_56 = arith.andi %ge3A_52, %lt3A_55 : vector<16xi1>
      %add3A_57 = arith.constant 5016 : i32
      %add3A_58 = vector.broadcast %add3A_57 : i32 to vector<16xi32>
      %add3A_59 = arith.addi %add3A_58, %iota3A : vector<16xi32>
      %select_n3A_60 = arith.select %and3A_56, %sub3A_50, %add3A_59 : vector<16xi1>, vector<16xi32>
      %swap3A_61 = arith.constant 16 : index
      %swap3A_62 = tpu.vector_load %arg8[%swap3A_61] {strides = array<i32>} : memref<80xi32, #tpu.memory_space<vmem>>, vector<16xi32>,
      tpu.vector_store %arg8[%swap3A_61], %select_n3A_60 {strides = array<i32>} : memref<80xi32, #tpu.memory_space<vmem>>, vector<16xi32>,
      %get3A_63 = arith.constant 32 : index
      %get3A_64 = tpu.vector_load %arg7[%get3A_63] {strides = array<i32>} : memref<80xi32, #tpu.memory_space<vmem>>, vector<16xi32>,
      %sub3A_65 = vector.broadcast %mul3A_1 : i32 to vector<16xi32>
      %sub3A_66 = arith.subi %get3A_64, %sub3A_65 : vector<16xi32>
      %ge3A_67 = vector.broadcast %mul3A_1 : i32 to vector<16xi32>
      %ge3A_68 = arith.cmpi sge, %get3A_64, %ge3A_67 : vector<16xi32>
      %lt3A_69 = arith.constant 5000 : i32
      %lt3A_70 = vector.broadcast %lt3A_69 : i32 to vector<16xi32>
      %lt3A_71 = arith.cmpi slt, %sub3A_66, %lt3A_70 : vector<16xi32>
      %and3A_72 = arith.andi %ge3A_68, %lt3A_71 : vector<16xi1>
      %add3A_73 = arith.constant 5032 : i32
      %add3A_74 = vector.broadcast %add3A_73 : i32 to vector<16xi32>
      %add3A_75 = arith.addi %add3A_74, %iota3A : vector<16xi32>
      %select_n3A_76 = arith.select %and3A_72, %sub3A_66, %add3A_75 : vector<16xi1>, vector<16xi32>
      %swap3A_77 = arith.constant 32 : index
      %swap3A_78 = tpu.vector_load %arg8[%swap3A_77] {strides = array<i32>} : memref<80xi32, #tpu.memory_space<vmem>>, vector<16xi32>,
      tpu.vector_store %arg8[%swap3A_77], %select_n3A_76 {strides = array<i32>} : memref<80xi32, #tpu.memory_space<vmem>>, vector<16xi32>,
      %get3A_79 = arith.constant 48 : index
      %get3A_80 = tpu.vector_load %arg7[%get3A_79] {strides = array<i32>} : memref<80xi32, #tpu.memory_space<vmem>>, vector<16xi32>,
      %sub3A_81 = vector.broadcast %mul3A_1 : i32 to vector<16xi32>
      %sub3A_82 = arith.subi %get3A_80, %sub3A_81 : vector<16xi32>
      %ge3A_83 = vector.broadcast %mul3A_1 : i32 to vector<16xi32>
      %ge3A_84 = arith.cmpi sge, %get3A_80, %ge3A_83 : vector<16xi32>
      %lt3A_85 = arith.constant 5000 : i32
      %lt3A_86 = vector.broadcast %lt3A_85 : i32 to vector<16xi32>
      %lt3A_87 = arith.cmpi slt, %sub3A_82, %lt3A_86 : vector<16xi32>
      %and3A_88 = arith.andi %ge3A_84, %lt3A_87 : vector<16xi1>
      %add3A_89 = arith.constant 5048 : i32
      %add3A_90 = vector.broadcast %add3A_89 : i32 to vector<16xi32>
      %add3A_91 = arith.addi %add3A_90, %iota3A : vector<16xi32>
      %select_n3A_92 = arith.select %and3A_88, %sub3A_82, %add3A_91 : vector<16xi1>, vector<16xi32>
      %swap3A_93 = arith.constant 48 : index
      %swap3A_94 = tpu.vector_load %arg8[%swap3A_93] {strides = array<i32>} : memref<80xi32, #tpu.memory_space<vmem>>, vector<16xi32>,
      tpu.vector_store %arg8[%swap3A_93], %select_n3A_92 {strides = array<i32>} : memref<80xi32, #tpu.memory_space<vmem>>, vector<16xi32>,
      %get3A_95 = arith.constant 64 : index
      %get3A_96 = tpu.vector_load %arg7[%get3A_95] {strides = array<i32>} : memref<80xi32, #tpu.memory_space<vmem>>, vector<16xi32>,
      %sub3A_97 = vector.broadcast %mul3A_1 : i32 to vector<16xi32>
      %sub3A_98 = arith.subi %get3A_96, %sub3A_97 : vector<16xi32>
      %ge3A_99 = vector.broadcast %mul3A_1 : i32 to vector<16xi32>
      %ge3A_100 = arith.cmpi sge, %get3A_96, %ge3A_99 : vector<16xi32>
      %lt3A_101 = arith.constant 5000 : i32
      %lt3A_102 = vector.broadcast %lt3A_101 : i32 to vector<16xi32>
      %lt3A_103 = arith.cmpi slt, %sub3A_98, %lt3A_102 : vector<16xi32>
      %and3A_104 = arith.andi %ge3A_100, %lt3A_103 : vector<16xi1>
      %add3A_105 = arith.constant 5064 : i32
      %add3A_106 = vector.broadcast %add3A_105 : i32 to vector<16xi32>
      %add3A_107 = arith.addi %add3A_106, %iota3A : vector<16xi32>
      %select_n3A_108 = arith.select %and3A_104, %sub3A_98, %add3A_107 : vector<16xi1>, vector<16xi32>
      %swap3A_109 = arith.constant 64 : index
      %swap3A_110 = tpu.vector_load %arg8[%swap3A_109] {strides = array<i32>} : memref<80xi32, #tpu.memory_space<vmem>>, vector<16xi32>,
      tpu.vector_store %arg8[%swap3A_109], %select_n3A_108 {strides = array<i32>} : memref<80xi32, #tpu.memory_space<vmem>>, vector<16xi32>,
      %dma_start3A = arith.constant 0 : i32
      %dma_start3A_111 = arith.constant 0 : i32
      %dma_start3A_112 = tpu.memref_slice %arg2[%dma_start3A, %dma_start3A_111] : memref<10000x128xf32, #tpu.memory_space<hbm>> -> memref<10000x128xf32, #tpu.memory_space<hbm>>
      tpu.enqueue_indirect_dma source(%dma_start3A_112 : memref<10000x128xf32, #tpu.memory_space<hbm>>) target(%arg9 : memref<80x128xf32, #tpu.memory_space<vmem>>) offsets(%arg6 : memref<80xi32, #tpu.memory_space<vmem>>) semaphore(%arg12 : memref<!tpu.dma_semaphore, #tpu.memory_space<semaphore_mem>>)
      %dma_wait3A = arith.constant 0 : i32
      %dma_wait3A_113 = arith.constant 0 : i32
      %dma_wait3A_114 = tpu.memref_slice %arg2[%dma_wait3A, %dma_wait3A_113] : memref<10000x128xf32, #tpu.memory_space<hbm>> -> memref<10000x128xf32, #tpu.memory_space<hbm>>
      tpu.wait_indirect_dma semaphore(%arg12 : memref<!tpu.dma_semaphore, #tpu.memory_space<semaphore_mem>>) src(%dma_wait3A_114 : memref<10000x128xf32, #tpu.memory_space<hbm>>) dst(%arg9 : memref<80x128xf32, #tpu.memory_space<vmem>>)
      "tpu.region"() ({
        %run_scoped3A = tpu.sem_alloc : memref<!tpu.dma_semaphore, #tpu.memory_space<semaphore_mem>>
        %dma_start3A_115 = arith.constant 0 : i32
        %dma_start3A_116 = arith.constant 0 : i32
        %dma_start3A_117 = tpu.memref_slice %arg11[%dma_start3A_115, %dma_start3A_116] : memref<5080x128xf32, #tpu.memory_space<vmem_shared>> -> memref<5080x128xf32, #tpu.memory_space<vmem_shared>>
        tpu.enqueue_indirect_dma source(%arg9 : memref<80x128xf32, #tpu.memory_space<vmem>>) target(%dma_start3A_117 : memref<5080x128xf32, #tpu.memory_space<vmem_shared>>) offsets(%arg8 : memref<80xi32, #tpu.memory_space<vmem>>) semaphore(%run_scoped3A : memref<!tpu.dma_semaphore, #tpu.memory_space<semaphore_mem>>) {add = true}
        %dma_wait3A_118 = arith.constant 0 : i32
        %dma_wait3A_119 = arith.constant 0 : i32
        %dma_wait3A_120 = tpu.memref_slice %arg11[%dma_wait3A_118, %dma_wait3A_119] : memref<5080x128xf32, #tpu.memory_space<vmem_shared>> -> memref<5080x128xf32, #tpu.memory_space<vmem_shared>>
        tpu.wait_indirect_dma semaphore(%run_scoped3A : memref<!tpu.dma_semaphore, #tpu.memory_space<semaphore_mem>>) src(%arg9 : memref<80x128xf32, #tpu.memory_space<vmem>>) dst(%dma_wait3A_120 : memref<5080x128xf32, #tpu.memory_space<vmem_shared>>)
        tpu.yield
      }) : () -> ()
    }
    %scan3A_16 = arith.constant 250 : i32
    %barrier3A_17 = arith.constant 0 : index
    tpu.barrier barrier_id(%barrier3A_17)
    %lt3A_18 = arith.constant 15 : i32
    %lt3A_19 = arith.cmpi slt, %arg1, %lt3A_18 : i32
    %convert_element_type3A_20 = arith.extui %lt3A_19 : i1 to i32
    %cond3A_21 = arith.constant 0 : i32
    %cond3A_22 = arith.cmpi ne, %convert_element_type3A_20, %cond3A_21 : i32
    scf.if %cond3A_22 {
      %mul3A_28 = arith.constant 312 : i32
      %mul3A_29 = arith.muli %arg1, %mul3A_28 : i32
      %mul3A_30 = arith.constant 312 : i32
      %mul3A_31 = arith.muli %arg1, %mul3A_30 : i32
      %add3A = arith.addi %mul3A_1, %mul3A_31 : i32
      "tpu.region"() ({
        %run_scoped3A = tpu.sem_alloc : memref<!tpu.dma_semaphore, #tpu.memory_space<semaphore_mem>>
        %dma_start3A = arith.constant 0 : i32
        %dma_start3A_32 = tpu.memref_slice %arg5[%add3A, %dma_start3A] : memref<10000x128xf32, #tpu.memory_space<hbm>> -> memref<312x128xf32, #tpu.memory_space<hbm>>
        %dma_start3A_33 = arith.constant 0 : i32
        %dma_start3A_34 = tpu.memref_slice %arg11[%mul3A_29, %dma_start3A_33] : memref<5080x128xf32, #tpu.memory_space<vmem_shared>> -> memref<312x128xf32, #tpu.memory_space<vmem_shared>>
        tpu.enqueue_dma source(%dma_start3A_34 : memref<312x128xf32, #tpu.memory_space<vmem_shared>>) target(%dma_start3A_32 : memref<312x128xf32, #tpu.memory_space<hbm>>) target_semaphore(%run_scoped3A : memref<!tpu.dma_semaphore, #tpu.memory_space<semaphore_mem>>)
        %dma_wait3A = arith.constant 0 : i32
        %dma_wait3A_35 = tpu.memref_slice %arg5[%add3A, %dma_wait3A] : memref<10000x128xf32, #tpu.memory_space<hbm>> -> memref<312x128xf32, #tpu.memory_space<hbm>>
        %dma_wait3A_36 = arith.constant 0 : i32
        %dma_wait3A_37 = tpu.memref_slice %arg11[%mul3A_29, %dma_wait3A_36] : memref<5080x128xf32, #tpu.memory_space<vmem_shared>> -> memref<312x128xf32, #tpu.memory_space<vmem_shared>>
        tpu.wait_dma2 semaphore(%run_scoped3A : memref<!tpu.dma_semaphore, #tpu.memory_space<semaphore_mem>>) src(%dma_wait3A_37 : memref<312x128xf32, #tpu.memory_space<vmem_shared>>) dst(%dma_wait3A_35 : memref<312x128xf32, #tpu.memory_space<hbm>>)
        tpu.yield
      }) : () -> ()
    } else {
    }
    %eq3A_23 = arith.constant 15 : i32
    %eq3A_24 = arith.cmpi eq, %arg1, %eq3A_23 : i32
    %convert_element_type3A_25 = arith.extui %eq3A_24 : i1 to i32
    %cond3A_26 = arith.constant 0 : i32
    %cond3A_27 = arith.cmpi ne, %convert_element_type3A_25, %cond3A_26 : i32
    scf.if %cond3A_27 {
      %add3A = arith.constant 4680 : i32
      %add3A_28 = arith.addi %mul3A_1, %add3A : i32
      "tpu.region"() ({
        %run_scoped3A = tpu.sem_alloc : memref<!tpu.dma_semaphore, #tpu.memory_space<semaphore_mem>>
        %dma_start3A = arith.constant 0 : i32
        %dma_start3A_29 = tpu.memref_slice %arg5[%add3A_28, %dma_start3A] : memref<10000x128xf32, #tpu.memory_space<hbm>> -> memref<320x128xf32, #tpu.memory_space<hbm>>
        %dma_start3A_30 = arith.constant 4680 : i32
        %dma_start3A_31 = arith.constant 0 : i32
        %dma_start3A_32 = tpu.memref_slice %arg11[%dma_start3A_30, %dma_start3A_31] : memref<5080x128xf32, #tpu.memory_space<vmem_shared>> -> memref<320x128xf32, #tpu.memory_space<vmem_shared>>
        tpu.enqueue_dma source(%dma_start3A_32 : memref<320x128xf32, #tpu.memory_space<vmem_shared>>) target(%dma_start3A_29 : memref<320x128xf32, #tpu.memory_space<hbm>>) target_semaphore(%run_scoped3A : memref<!tpu.dma_semaphore, #tpu.memory_space<semaphore_mem>>)
        %dma_wait3A = arith.constant 0 : i32
        %dma_wait3A_33 = tpu.memref_slice %arg5[%add3A_28, %dma_wait3A] : memref<10000x128xf32, #tpu.memory_space<hbm>> -> memref<320x128xf32, #tpu.memory_space<hbm>>
        %dma_wait3A_34 = arith.constant 4680 : i32
        %dma_wait3A_35 = arith.constant 0 : i32
        %dma_wait3A_36 = tpu.memref_slice %arg11[%dma_wait3A_34, %dma_wait3A_35] : memref<5080x128xf32, #tpu.memory_space<vmem_shared>> -> memref<320x128xf32, #tpu.memory_space<vmem_shared>>
        tpu.wait_dma2 semaphore(%run_scoped3A : memref<!tpu.dma_semaphore, #tpu.memory_space<semaphore_mem>>) src(%dma_wait3A_36 : memref<320x128xf32, #tpu.memory_space<vmem_shared>>) dst(%dma_wait3A_33 : memref<320x128xf32, #tpu.memory_space<hbm>>)
        tpu.yield
      }) : () -> ()
    } else {
    }
    return
  }
}

module attributes {stable_mosaic.version = 14 : i64} {
  func.func @_scale_body(%arg0: i32, %arg1: memref<1000x128xf32, #tpu.memory_space<vmem>>, %arg2: memref<1000x128xf32, #tpu.memory_space<vmem>>, %arg3: memref<1000x128xf32, #tpu.memory_space<vmem>>) attributes {dimension_semantics = [#tpu.dimension_semantics<arbitrary>], iteration_bounds = array<i64: 10>, scalar_prefetch = 0 : i64, scratch_operands = 0 : i64, tpu.core_type = #tpu.core_type<tc>, window_params = [{transform_indices = @transform_0, window_bounds = array<i64: 1000, 128>}, {transform_indices = @transform_1, window_bounds = array<i64: 1000, 128>}, {transform_indices = @transform_2, window_bounds = array<i64: 1000, 128>}]} {
    %get3A = arith.constant 0 : index
    %get3A_0 = arith.constant 0 : index
    %get3A_1 = vector.load %arg1[%get3A, %get3A_0] : memref<1000x128xf32, #tpu.memory_space<vmem>>, vector<1000x128xf32>
    %get3A_2 = arith.constant 0 : index
    %get3A_3 = arith.constant 0 : index
    %get3A_4 = vector.load %arg2[%get3A_2, %get3A_3] : memref<1000x128xf32, #tpu.memory_space<vmem>>, vector<1000x128xf32>
    %mul3A = arith.mulf %get3A_1, %get3A_4 : vector<1000x128xf32>
    %swap3A = arith.constant 0 : index
    %swap3A_5 = arith.constant 0 : index
    %swap3A_6 = vector.load %arg3[%swap3A, %swap3A_5] : memref<1000x128xf32, #tpu.memory_space<vmem>>, vector<1000x128xf32>
    tpu.vector_store %arg3[%swap3A, %swap3A_5], %mul3A {strides = array<i32>} : memref<1000x128xf32, #tpu.memory_space<vmem>>, vector<1000x128xf32>,
    return
  }
  func.func @transform_0(%arg0: i32) -> (i32, i32) {
    %c0_i32 = arith.constant 0 : i32
    %c0_i32_0 = arith.constant 0 : i32
    return %arg0, %c0_i32 : i32, i32
  }
  func.func @transform_1(%arg0: i32) -> (i32, i32) {
    %c0_i32 = arith.constant 0 : i32
    %c0_i32_0 = arith.constant 0 : i32
    return %arg0, %c0_i32 : i32, i32
  }
  func.func @transform_2(%arg0: i32) -> (i32, i32) {
    %c0_i32 = arith.constant 0 : i32
    %c0_i32_0 = arith.constant 0 : i32
    return %arg0, %c0_i32 : i32, i32
  }
}

module attributes {stable_mosaic.version = 14 : i64} {
  func.func @_dis_body(%arg0: memref<32x10000xf32, #tpu.memory_space<vmem>>, %arg1: memref<10000x128xf32, #tpu.memory_space<vmem>>) attributes {dimension_semantics = [], scalar_prefetch = 0 : i64, scratch_operands = 0 : i64, tpu.core_type = #tpu.core_type<tc>} {
    %get3A = arith.constant 0 : index
    %get3A_0 = arith.constant 0 : index
    %get3A_1 = vector.load %arg0[%get3A, %get3A_0] : memref<32x10000xf32, #tpu.memory_space<vmem>>, vector<32x10000xf32>
    %reduce_sum3A = arith.constant dense<0.000000e+00> : vector<10000xf32>
    %reduce_sum3A_2 = vector.multi_reduction <add>, %get3A_1, %reduce_sum3A [0] : vector<32x10000xf32> to vector<10000xf32>
    %gt3A = arith.constant 0.000000e+00 : f32
    %gt3A_3 = vector.broadcast %gt3A : f32 to vector<10000xf32>
    %gt3A_4 = arith.cmpf ogt, %reduce_sum3A_2, %gt3A_3 : vector<10000xf32>
    %max3A = arith.constant 9.99999996E-13 : f32
    %max3A_5 = vector.broadcast %max3A : f32 to vector<10000xf32>
    %max3A_6 = arith.maximumf %reduce_sum3A_2, %max3A_5 : vector<10000xf32>
    %rsqrt3A = math.rsqrt %max3A_6 : vector<10000xf32>
    %jit3A = arith.constant 0.000000e+00 : f32
    %broadcast_in_dim3A = vector.broadcast %jit3A : f32 to vector<10000xf32>
    %select_n3A = arith.select %gt3A_4, %rsqrt3A, %broadcast_in_dim3A : vector<10000xi1>, vector<10000xf32>
    %broadcast_in_dim3A_7 = vector.shape_cast %select_n3A : vector<10000xf32> to vector<10000x1xf32>
    %broadcast_in_dim3A_8 = vector.shape_cast %broadcast_in_dim3A_7 : vector<10000x1xf32> to vector<10000x1xf32>
    %broadcast_in_dim3A_9 = vector.broadcast %broadcast_in_dim3A_8 : vector<10000x1xf32> to vector<10000x128xf32>
    %swap3A = arith.constant 0 : index
    %swap3A_10 = arith.constant 0 : index
    %swap3A_11 = vector.load %arg1[%swap3A, %swap3A_10] : memref<10000x128xf32, #tpu.memory_space<vmem>>, vector<10000x128xf32>
    tpu.vector_store %arg1[%swap3A, %swap3A_10], %broadcast_in_dim3A_9 {strides = array<i32>} : memref<10000x128xf32, #tpu.memory_space<vmem>>, vector<10000x128xf32>,
    return
  }
}

module attributes {stable_mosaic.version = 14 : i64} {
  func.func @_mlp_body(%arg0: i32, %arg1: memref<1000x128xf32, #tpu.memory_space<vmem>>, %arg2: memref<1000x128xf32, #tpu.memory_space<vmem>>, %arg3: memref<128x128xf32, #tpu.memory_space<vmem>>, %arg4: memref<1x128xf32, #tpu.memory_space<vmem>>, %arg5: memref<128x128xf32, #tpu.memory_space<vmem>>, %arg6: memref<1x128xf32, #tpu.memory_space<vmem>>, %arg7: memref<1000x128xf32, #tpu.memory_space<vmem>>) attributes {dimension_semantics = [#tpu.dimension_semantics<arbitrary>], iteration_bounds = array<i64: 10>, scalar_prefetch = 0 : i64, scratch_operands = 0 : i64, tpu.core_type = #tpu.core_type<tc>, window_params = [{transform_indices = @transform_0, window_bounds = array<i64: 1000, 128>}, {transform_indices = @transform_1, window_bounds = array<i64: 1000, 128>}, {pipeline_mode = #tpu.pipeline_mode<synchronous>, transform_indices = @transform_2, window_bounds = array<i64: 128, 128>}, {pipeline_mode = #tpu.pipeline_mode<synchronous>, transform_indices = @transform_3, window_bounds = array<i64: 1, 128>}, {pipeline_mode = #tpu.pipeline_mode<synchronous>, transform_indices = @transform_4, window_bounds = array<i64: 128, 128>}, {pipeline_mode = #tpu.pipeline_mode<synchronous>, transform_indices = @transform_5, window_bounds = array<i64: 1, 128>}, {transform_indices = @transform_6, window_bounds = array<i64: 1000, 128>}]} {
    %get3A = arith.constant 0 : index
    %get3A_0 = arith.constant 0 : index
    %get3A_1 = vector.load %arg1[%get3A, %get3A_0] : memref<1000x128xf32, #tpu.memory_space<vmem>>, vector<1000x128xf32>
    %get3A_2 = arith.constant 0 : index
    %get3A_3 = arith.constant 0 : index
    %get3A_4 = vector.load %arg2[%get3A_2, %get3A_3] : memref<1000x128xf32, #tpu.memory_space<vmem>>, vector<1000x128xf32>
    %mul3A = arith.mulf %get3A_1, %get3A_4 : vector<1000x128xf32>
    %get3A_5 = arith.constant 0 : index
    %get3A_6 = arith.constant 0 : index
    %get3A_7 = vector.load %arg3[%get3A_5, %get3A_6] : memref<128x128xf32, #tpu.memory_space<vmem>>, vector<128x128xf32>
    %dot_general3A = arith.constant dense<0.000000e+00> : vector<1000x128xf32>
    %dot_general3A_8 = tpu.matmul %mul3A, %get3A_7, %dot_general3A {dimension_numbers = #tpu.dot_dimension_numbers<[1], [0], [0], [1], [0, 0, 1, 1], [], []>, transpose_lhs_hint = false} : vector<1000x128xf32>, vector<128x128xf32>, vector<1000x128xf32> -> vector<1000x128xf32>
    %get3A_9 = arith.constant 0 : index
    %get3A_10 = arith.constant 0 : index
    %get3A_11 = vector.load %arg4[%get3A_9, %get3A_10] : memref<1x128xf32, #tpu.memory_space<vmem>>, vector<1x128xf32>
    %add3A = vector.broadcast %get3A_11 : vector<1x128xf32> to vector<1000x128xf32>
    %add3A_12 = arith.addf %dot_general3A_8, %add3A : vector<1000x128xf32>
    %max3A = arith.constant 0.000000e+00 : f32
    %max3A_13 = vector.broadcast %max3A : f32 to vector<1000x128xf32>
    %max3A_14 = arith.maximumf %add3A_12, %max3A_13 : vector<1000x128xf32>
    %get3A_15 = arith.constant 0 : index
    %get3A_16 = arith.constant 0 : index
    %get3A_17 = vector.load %arg5[%get3A_15, %get3A_16] : memref<128x128xf32, #tpu.memory_space<vmem>>, vector<128x128xf32>
    %dot_general3A_18 = arith.constant dense<0.000000e+00> : vector<1000x128xf32>
    %dot_general3A_19 = tpu.matmul %max3A_14, %get3A_17, %dot_general3A_18 {dimension_numbers = #tpu.dot_dimension_numbers<[1], [0], [0], [1], [0, 0, 1, 1], [], []>, transpose_lhs_hint = false} : vector<1000x128xf32>, vector<128x128xf32>, vector<1000x128xf32> -> vector<1000x128xf32>
    %get3A_20 = arith.constant 0 : index
    %get3A_21 = arith.constant 0 : index
    %get3A_22 = vector.load %arg6[%get3A_20, %get3A_21] : memref<1x128xf32, #tpu.memory_space<vmem>>, vector<1x128xf32>
    %add3A_23 = vector.broadcast %get3A_22 : vector<1x128xf32> to vector<1000x128xf32>
    %add3A_24 = arith.addf %dot_general3A_19, %add3A_23 : vector<1000x128xf32>
    %swap3A = arith.constant 0 : index
    %swap3A_25 = arith.constant 0 : index
    %swap3A_26 = vector.load %arg7[%swap3A, %swap3A_25] : memref<1000x128xf32, #tpu.memory_space<vmem>>, vector<1000x128xf32>
    tpu.vector_store %arg7[%swap3A, %swap3A_25], %add3A_24 {strides = array<i32>} : memref<1000x128xf32, #tpu.memory_space<vmem>>, vector<1000x128xf32>,
    return
  }
  func.func @transform_0(%arg0: i32) -> (i32, i32) {
    %c0_i32 = arith.constant 0 : i32
    %c0_i32_0 = arith.constant 0 : i32
    return %arg0, %c0_i32 : i32, i32
  }
  func.func @transform_1(%arg0: i32) -> (i32, i32) {
    %c0_i32 = arith.constant 0 : i32
    %c0_i32_0 = arith.constant 0 : i32
    return %arg0, %c0_i32 : i32, i32
  }
  func.func @transform_2(%arg0: i32) -> (i32, i32) {
    %c0_i32 = arith.constant 0 : i32
    %c0_i32_0 = arith.constant 0 : i32
    %c0_i32_1 = arith.constant 0 : i32
    return %c0_i32, %c0_i32_0 : i32, i32
  }
  func.func @transform_3(%arg0: i32) -> (i32, i32) {
    %c0_i32 = arith.constant 0 : i32
    %c0_i32_0 = arith.constant 0 : i32
    %c0_i32_1 = arith.constant 0 : i32
    return %c0_i32, %c0_i32_0 : i32, i32
  }
  func.func @transform_4(%arg0: i32) -> (i32, i32) {
    %c0_i32 = arith.constant 0 : i32
    %c0_i32_0 = arith.constant 0 : i32
    %c0_i32_1 = arith.constant 0 : i32
    return %c0_i32, %c0_i32_0 : i32, i32
  }
  func.func @transform_5(%arg0: i32) -> (i32, i32) {
    %c0_i32 = arith.constant 0 : i32
    %c0_i32_0 = arith.constant 0 : i32
    %c0_i32_1 = arith.constant 0 : i32
    return %c0_i32, %c0_i32_0 : i32, i32
  }
  func.func @transform_6(%arg0: i32) -> (i32, i32) {
    %c0_i32 = arith.constant 0 : i32
    %c0_i32_0 = arith.constant 0 : i32
    return %arg0, %c0_i32 : i32, i32
  }
}

</mosaic_0001>

<sc_bundles>
// kernel: kernel.10.cloned.1.call-start
scs
__scs_entry_jumppad:
0x0: {  	(pc) =	sbr.rel $0x88, $3  }
0x1: {  	(tag) =	ssettag $0x0;
	lr =	simm.s32 $0x1  }
0x2: {  	[smem:$0x3F9A] =	sst lr;
	_ =	strace $0xD0000000  }
0x3: {  	_ = 	snop  }
0x4: {  	_ = 	snop  }
0x5: {  	_ = 	snop  }
0x6: {  	_ = 	snop  }
0x7: {  	_ = 	snop  }
__scs_overlays_trampoline_lowered:
0x8: {  	[smem:$0x3FA9] =	sst s0  }
0x9: {  	[smem:$0x3FAA] =	sst s1  }
0xa: {  	[smem:$0x3FAB] =	sst s2  }
0xb: {  	[smem:$0x3FAC] =	sst s3  }
0xc: {  	[smem:$0x3FAD] =	sst s4  }
0xd: {  	[smem:$0x3FAE] =	sst s5  }
0xe: {  	[smem:$0x3FAF] =	sst s6  }
0xf: {  	[smem:$0x3FB0] =	sst s7  }
0x10: {  	[smem:$0x3FB1] =	sst s8  }
0x11: {  	[smem:$0x3FB2] =	sst s9;
	s0 =	simm.s32 @!p0 $0x0  }
0x12: {  	s1 =	sld [smem:$0x3F98];
	s0 =	simm.s32 @p0 $0x1  }
0x13: {  	[smem:$0x3FB3] =	sst s0;
	s0 =	simm.s32 @!p1 $0x0  }
0x14: {  	s2 =	sld [smem:$0x3F97];
	s0 =	simm.s32 @p1 $0x1  }
0x15: {  	[smem:$0x3FB4] =	sst s0;
	s0 =	simm.s32 @!p2 $0x0  }
0x16: {  	s3 =	sld [smem:$0x3FDB];
	s0 =	simm.s32 @p2 $0x1  }
0x17: {  	s4 =	simm.s32 $0x1BF5;
	[smem:$0x3FB6] =	sst s0  }
0x18: {  	s0 =	sld [smem:$0x3F99];
	_ =	swait.ge [sflag:s4], $0x0  }
0x19: {  	s7 =	sld [smem:$0x3F9A]  }
0x1a: {  	s8 =	sadd.s32 $0xFFFFE003, lr  }
0x1b: {  	s9 =	sadd.s32 $0xFFFFFEF7, lr;
	s5 =	simm.s32 $0xFFFFFFFF;
	p2 =	slt.u32 s8, $0xFFFFF086  }
0x1c: {  	p1 =	slt.u32 s9, $0xF7A;
	s5 =	simm.s32 @!p2 $0x0  }
0x1d: {  	s5 =	simm.s32 @p1 $0x1;
	p0 =	seq.s32 s7, s2  }
0x1e: {  	s7 =	smul.u32 @!p0 $0xF7A, s2;
	p2 =	seq.s32 @!p0 s5, $0x0  }
0x1f: {  	s9 =	smul.u32 $0xF7A, s1;
	s8 =	simm.s32 @!p0 $0x1BF5;
	p2 =	por !p2, p0  }
0x20: {  	[sflag:s8] =	ssyncset.s32 @!p0 $0xFFFFF086;
	s6 =	sadd.s32 @!p0 s3, s7;
	s7 =	simm.s32 @!p0 $0x108  }
0x21: {  	s3 =	sadd.s32 s3, s9;
	s6 =	sadd.s32 @!p0 $0x88, s6;
	s7 =	simm.s32 @p2 $0x1082  }
0x22: {  	[simem:s7], [sflag:s8] =	dma.local @!p0 [hbm:s6], $0xF7A  }
0x23: {  	s9 =	sor.u32 $0xD0000000, s2;
	s6 =	simm.s32 $0x108;
	_ =	swait.ge @!p0 [sflag:s8], $0x0  }
0x24: {  	s3 =	sadd.s32 $0x88, s3;
	s6 =	simm.s32 @!p1 $0x1082;
	[sflag:s4] =	ssyncset.s32 $0xFFFFF086  }
0x25: {  	[simem:s6], [sflag:s4] =	dma.local [hbm:s3], $0xF7A  }
0x26: {  	[smem:$0x3F9A] =	sst s1;
	(tag) =	ssettag s2;
	_ =	strace s9  }
0x27: {  	s1 =	sld [smem:$0x3FAA]  }
0x28: {  	s2 =	sld [smem:$0x3FAB]  }
0x29: {  	s4 =	sld [smem:$0x3FAD]  }
0x2a: {  	p0 =	seq.s32 s5, $0x0;
	s5 =	sld [smem:$0x3FAE]  }
0x2b: {  	s6 =	sld [smem:$0x3FAF]  }
0x2c: {  	s7 =	sld [smem:$0x3FB0]  }
0x2d: {  	s3 =	simm.s32 $0x108;
	s8 =	sld [smem:$0x3FB1]  }
0x2e: {  	s3 =	simm.s32 @!p0 $0x1082;
	s9 =	sld [smem:$0x3FB2]  }
0x2f: {  	lr =	sadd.s32 s0, s3;
	s0 =	sld [smem:$0x3FA9]  }
0x30: {  	s3 =	sld [smem:$0x3FAC]  }
0x31: {  	[smem:$0x3FB5] =	sst s10  }
0x32: {  	s10 =	sld [smem:$0x3FB3];
	_ =	sdelay $0x3  }
0x33: {  	p0 =	seq.s32 s10, $0x1;
	s10 =	sld [smem:$0x3FB5];
	_ =	sdelay $0x3  }
0x34: {  	[smem:$0x3FB5] =	sst s10  }
0x35: {  	s10 =	sld [smem:$0x3FB4];
	_ =	sdelay $0x3  }
0x36: {  	p1 =	seq.s32 s10, $0x1;
	s10 =	sld [smem:$0x3FB5];
	_ =	sdelay $0x3  }
0x37: {  	[smem:$0x3FB5] =	sst s10  }
0x38: {  	s10 =	sld [smem:$0x3FB6]  }
0x39: {  	_ = 	snop;
	(pc) =	sbr.ind lr, $3  }
0x3a: {  	_ = 	snop  }
0x3b: {  	_ = 	snop  }
0x3c: {  	p2 =	seq.s32 s10, $0x1;
	s10 =	sld [smem:$0x3FB5]  }
0x3d: {  	_ =	shalt  }
0x3e: {  	_ =	shalt  }
0x3f: {  	_ =	shalt  }
0x40: {  	_ =	shalt  }
0x41: {  	_ =	shalt  }
0x42: {  	_ =	shalt  }
0x43: {  	_ =	shalt  }
0x44: {  	_ =	shalt  }
0x45: {  	_ =	shalt  }
0x46: {  	_ =	shalt  }
0x47: {  	_ =	shalt  }
0x48: {  	_ =	shalt  }
0x49: {  	_ =	shalt  }
0x4a: {  	_ =	shalt  }
0x4b: {  	_ =	shalt  }
0x4c: {  	_ =	shalt  }
0x4d: {  	_ =	shalt  }
0x4e: {  	_ =	shalt  }
0x4f: {  	_ =	shalt  }
0x50: {  	_ =	shalt  }
0x51: {  	_ =	shalt  }
0x52: {  	_ =	shalt  }
0x53: {  	_ =	shalt  }
0x54: {  	_ =	shalt  }
0x55: {  	_ =	shalt  }
0x56: {  	_ =	shalt  }
0x57: {  	_ =	shalt  }
0x58: {  	_ =	shalt  }
0x59: {  	_ =	shalt  }
0x5a: {  	_ =	shalt  }
0x5b: {  	_ =	shalt  }
0x5c: {  	_ =	shalt  }
0x5d: {  	_ =	shalt  }
0x5e: {  	_ =	shalt  }
0x5f: {  	_ =	shalt  }
0x60: {  	_ =	shalt  }
0x61: {  	_ =	shalt  }
0x62: {  	_ =	shalt  }
0x63: {  	_ =	shalt  }
0x64: {  	_ =	shalt  }
0x65: {  	_ =	shalt  }
0x66: {  	_ =	shalt  }
0x67: {  	_ =	shalt  }
0x68: {  	_ =	shalt  }
0x69: {  	_ =	shalt  }
0x6a: {  	_ =	shalt  }
0x6b: {  	_ =	shalt  }
0x6c: {  	_ =	shalt  }
0x6d: {  	_ =	shalt  }
0x6e: {  	_ =	shalt  }
0x6f: {  	_ =	shalt  }
0x70: {  	_ =	shalt  }
0x71: {  	_ =	shalt  }
0x72: {  	_ =	shalt  }
0x73: {  	_ =	shalt  }
0x74: {  	_ =	shalt  }
0x75: {  	_ =	shalt  }
0x76: {  	_ =	shalt  }
0x77: {  	_ =	shalt  }
0x78: {  	_ =	shalt  }
0x79: {  	_ =	shalt  }
0x7a: {  	_ =	shalt  }
0x7b: {  	_ =	shalt  }
0x7c: {  	_ =	shalt  }
0x7d: {  	_ =	shalt  }
0x7e: {  	_ =	shalt  }
0x7f: {  	_ =	shalt  }
0x80: {  	_ =	shalt  }
0x81: {  	_ =	shalt  }
0x82: {  	_ =	shalt  }
0x83: {  	_ =	shalt  }
0x84: {  	_ =	shalt  }
0x85: {  	_ =	shalt  }
0x86: {  	_ =	shalt  }
0x87: {  	_ =	shalt  }
.Lfunc_end0:
.L_simem_size_0:
called_computation.1_lowered:
.L_overlay_start_0:
0x88: {  	s2 =	sld [smem:$0x3FD9]  }
0x89: {  	s3 =	sld [smem:$0x3FFE];
	_ =	sdelay $0x1  }
0x8a: {  	s1 =	srdreg.scid  }
0x8b: {  	s0 =	sand.u32 $0x1, s1  }
0x8c: {  	s14 =	sshll.u32 s0, $0xA;
	s2 =	sadd.s32 s3, s2  }
0x8d: {  	s2 =	sadd.s32 s2, s14  }
0x8e: {  	[smem:$0x3FC1] =	sst s2  }
0x8f: {  	_ = 	snop  }
0x90: {  	s2 =	sld [smem:$0x3FD0];
	_ =	sdelay $0x2  }
0x91: {  	s15 =	simm.s32 $0xA;
	s4 =	simm.s32 $0x10  }
0x92: {  	[smem:s4], [sflag:s15] =	dma.local [hbm:s2], $0x1  }
0x93: {  	_ =	swait.eq [sflag:s15], $0x1  }
0x94: {  	[sflag:s15] =	ssyncset.done $0x0  }
0x95: {  	s16 =	sld [smem:$0x10];
	[sflag:s15] =	ssyncadd.s32 $0xFFFFFFFF  }
0x96: {  	s17 =	sld [smem:$0x11];
	(tm) =	ssettm $0x1  }
0x97: {  	s18 =	sld [smem:$0x3FFB];
	_ =	sdelay $0x3  }
0x98: {  	_ =	strace s18  }
0x99: {  	s4 =	sld [smem:$0x3FFC];
	_ =	sdelay $0x3  }
0x9a: {  	_ =	strace s4  }
0x9b: {  	s4 =	sld [smem:$0x3FFD];
	_ =	sdelay $0x3  }
0x9c: {  	_ =	strace s4  }
0x9d: {  	_ =	strace $0x8FFFFFFF  }
0x9e: {  	s19 =	sld [smem:$0x3FDB];
	_ =	sdelay $0x1  }
0x9f: {  	s5 =	simm.s32 $_scs_section_size  }
0xa0: {  	s6 =	simm.s32 $_size__tile_overlayer_lowered;
	s7 =	simm.s32 $_tile_overlayer_lowered  }
0xa1: {  	s22 =	simm.s32 $0x1BFF;
	s21 =	sshll.u32 s7, $0x1;
	s4 =	sadd.s32 s5, s19  }
0xa2: {  	s8 =	simm.s32 $0x0;
	s20 =	sshll.u32 s6, $0x1;
	s6 =	sadd.s32 s21, s4  }
0xa3: {  	[timem:s8], [sflag:s22] =	dma.local [hbm:s6], s20  }
0xa4: {  	_ =	swait.ge [sflag:s22], s20  }
0xa5: {  	s5 =	ssub.s32 $0x0, s20;
	[sflag:s22] =	ssyncset.done $0x0  }
0xa6: {  	[sflag:s22] =	ssyncadd.s32 s5;
	_ =	sdelay $0x1  }
0xa7: {  	s23 =	simm.s32 $0x1B8B  }
0xa8: {  	_ =	swait.ge [sflag:s23], $0x1  }
0xa9: {  	[sflag:s23] =	ssyncset.done $0x0  }
0xaa: {  	s25 =	simm.s32 $0x1B8E;
	s24 =	sld [smem:$0x3FFE];
	[sflag:s23] =	ssyncadd.s32 $0xFFFFFFFF  }
0xab: {  	s26 =	simm.s32 $execute0_lowered;
	[smem:$0x3FD2] =	sst s25  }
0xac: {  	s6 =	sshll.u32 s26, $0x1;
	_ =	strace $0x80000049;
	[dreg:$0x1] =	wrdreg $0xFFFFFFFF  }
0xad: {  	s28 =	simm.s32 $_size_execute0_lowered;
	s4 =	sadd.s32 s4, s6;
	[dreg:$0x0] =	wrdreg $0x0  }
0xae: {  	s6 =	sshll.u32 s28, $0x1;
	[dreg:$0x2] =	wrdreg s4  }
0xaf: {  	[dreg:$0x3] =	wrdreg s6  }
0xb0: {  	[dreg:$0x4] =	wrdreg $0xC0  }
0xb1: {  	_ =	task [dreg:s8], $0x5FFFF  }
0xb2: {  	[dreg:$0x1] =	wrdreg $0xFFFFFFFF  }
0xb3: {  	[dreg:$0x0] =	wrdreg $0x60  }
0xb4: {  	[dreg:$0x2] =	wrdreg s16  }
0xb5: {  	[dreg:$0x3] =	wrdreg s24  }
0xb6: {  	[dreg:$0x4] =	wrdreg s17  }
0xb7: {  	[dreg:$0x5] =	wrdreg $0xC9800  }
0xb8: {  	[dreg:$0x6] =	wrdreg $0x9  }
0xb9: {  	_ =	task.clear_ibuf [dreg:s8], $0x7FFFF;
	_ =	strace $0x90000049  }
0xba: {  	s29 =	simm.s32 $0x9;
	_ =	strace $0x8000004B  }
0xbb: {  	_ =	swait.ge [sflag:s29], $0x1  }
0xbc: {  	[sflag:s29] =	ssyncadd.s32 $0xFFFFFFFF  }
0xbd: {  	_ =	strace $0x9000004B  }
0xbe: {  	_ =	sfence  }
0xbf: {  	s30 =	sld [smem:$0x0];
	_ =	sdelay $0x2  }
0xc0: {  	s31 =	sshll.u32 s1, $0xD;
	s1 =	sshrl.u32 s1, $0x2  }
0xc1: {  	s3 =	sand.u32 $0x4000, s31;
	s1 =	sadd.s32 s1, s30  }
0xc2: {  	s0 =	sor.u32 s3, s0;
	s1 =	sshll.u32 s1, $0x11  }
0xc3: {  	s0 =	sor.u32 s1, s0  }
0xc4: {  	s0 =	sadd.s32 $0x8F2B, s0  }
0xc5: {  	[sflag:s0] =	ssyncadd.remote.s32 $0x1  }
0xc6: {  	_ =	sfence.sel $0xFFFF  }
0xc7: {  	[dreg:$0x0] =	wrdreg $0xFFFFFFFF;
	(pc) =	sbr.abs _section_cstart, $3  }
0xc8: {  	[dreg:$0x1] =	wrdreg $0xFFFFFFFF  }
0xc9: {  	_ =	task.clear_ibuf [dreg:s8], $0x2FFFF;
	_ =	strace $0x9FFFFFFF  }
0xca: {  	(tm) =	ssettm $0x7FFFFFFF  }
0xcb: {  	_ =	shalt  }
tec
execute0_lowered:
.L_overlay_start_1:
0x0: {  	(tag) =	ssettag $0x1  }
0x1: {  	s1 =	rddreg [dreg:$0x0]  }
0x2: {  	s5 =	rddreg [dreg:$0x1]  }
0x3: {  	s9 =	rddreg [dreg:$0x2]  }
0x4: {  	s3 =	rddreg [dreg:$0x3]  }
0x5: {  	s0 =	rddreg [dreg:$0x4]  }
0x6: {  	s2 =	stileid.u32;
	s6 =	srdreg.scid;
	s4 =	simm.s32 $0x0  }
0x7: {  	s14 =	simm.s32 $0x80;
	s15 =	simm.s32 $0x50;
	s16 =	simm.s32 $0x180  }
0x8: {  	s17 =	simm.s32 $0x1;
	s18 =	simm.s32 $0x100;
	s7 =	smul.u32 $0x9C4, s2  }
0x9: {  	s19 =	simm.s32 $0x0;
	s6 =	sand.u32 $0x1, s6;
	s8 =	smul.u32 $0x27000, s2  }
0xa: {  	[smem:$0x7FF] =	sst s4;
	s30 =	smul.u32 $0x138, s2;
	p0 =	seq.s32 s2, $0xF  }
0xb: {  	s12 =	smul.u32 $0x1388, s6;
	_ =	strace $0x8000004A;
	s29 =	ssub.s32 $0x2, s6  }
0xc: {  	s11 =	smul.u32 $0x9C400, s6;
	s6 =	sadd.s32 $0x92400, s3;
	s10 =	sshrl.u32 s29, $0x1  }
0xd: {  	s13 =	sadd.s32 s7, s5;
	s8 =	sshrl.u32 s8, $0x2;
	s10 =	ssub.s32 s29, s10  }
0xe: {  	s5 =	sadd.s32 s8, s3;
	s7 =	sadd.s32 s30, s12;
	s11 =	sshrl.u32 s11, $0x3  }
0xf: {  	v6 =	vlaneseq.u32;
	v0 =	vmov s12;
	s12 =	sadd.s32 $0x2800, s13;
	s31 =	sshll.u32 s7, $0x4;
	s7 =	sadd.s32 $0x9C400, s3  }
0x10: {  	v1 =	vimm.f32 $0.0e+00;
	v2 =	vadd.s32 $0x1388, v6;
	v3 =	vadd.s32 $0x1398, v6;
	s10 =	smax.u32 s10, $0x1;
	s8 =	sadd.s32 s9, s31;
	s9 =	sadd.s32 s9, s11  }
0x11: {  	v4 =	vadd.s32 $0x13A8, v6;
	v5 =	vadd.s32 $0x13B8, v6;
	v6 =	vadd.s32 $0x13C8, v6;
	s11 =	sadd.s32 $0xC600, s13;
	s13 =	simm.s32 $0x2;
	s9 =	sadd.s32 $0x12480, s9  }
.LBB2_1:
0x12: {  	s20 =	simm.s32 $0x0;
	s21 =	simm.s32 $0x200  }
.LBB2_2:
0x13: {  	p1 =	sne.s32 s21, $0x27E00;
	[tilespmem:s20+$0x29F0] =	vst v1  }
0x14: {  	[tilespmem:s20+$0x2980] =	vst v1  }
0x15: {  	[tilespmem:s20+$0x2990] =	vst v1  }
.Ltmp0:
0x16: {  	[tilespmem:s20+$0x29A0] =	vst v1;
	(pc) =	sbr.rel @p1 .LBB2_2-.Ltmp0, $4  }
0x17: {  	[tilespmem:s20+$0x29B0] =	vst v1  }
0x18: {  	[tilespmem:s20+$0x29C0] =	vst v1  }
0x19: {  	[tilespmem:s20+$0x29D0] =	vst v1  }
0x1a: {  	[tilespmem:s20+$0x29E0] =	vst v1;
	s20 =	sshra.s32 s21, $0x2;
	s21 =	sadd.s32 $0x200, s21  }
0x1b: {  	[tilespmem:s20+$0x29F0] =	vst v1  }
0x1c: {  	[tilespmem:s20+$0x2980] =	vst v1  }
0x1d: {  	[tilespmem:s20+$0x2990] =	vst v1  }
0x1e: {  	[tilespmem:s20+$0x29A0] =	vst v1  }
0x1f: {  	[tilespmem:s20+$0x29B0] =	vst v1  }
0x20: {  	[tilespmem:s20+$0x29C0] =	vst v1  }
0x21: {  	[tilespmem:s20+$0x29D0] =	vst v1  }
0x22: {  	[tilespmem:s20+$0x29E0] =	vst v1;
	s20 =	simm.s32 @p0 $0x2980;
	s21 =	simm.s32 @p0 $0x2  }
0x23: {  	[spmem:s6] =	stream.linear.scatter @p0 [tilespmem:s20], [sflag:$0x2], $0xA000, $0x38;
	[tilespmem:$0x16840] =	vst v63  }
0x24: {  	_ =	swait.ge @p0 [sflag:s21], $0xA000  }
0x25: {  	[sflag:s21] =	ssyncset.done @p0 $0x0  }
0x26: {  	[sflag:s21] =	ssyncadd.s32 @p0 $0xFFFF6000  }
0x27: {  	[spmem:s7] =	stream.linear.scatter @p0 [tilespmem:s20], [sflag:$0x2], $0x2800, $0x38;
	[tilespmem:$0x16840] =	vst v63  }
0x28: {  	_ =	swait.ge @p0 [sflag:s21], $0x2800  }
0x29: {  	[sflag:s21] =	ssyncset.done @p0 $0x0  }
0x2a: {  	s20 =	simm.s32 @!p0 $0x2980;
	[sflag:s21] =	ssyncadd.s32 @p0 $0xFFFFD800  }
0x2b: {  	[spmem:s5] =	stream.linear.scatter @!p0 [tilespmem:s20], [sflag:$0x2], $0x9C00, $0x38;
	[tilespmem:$0x16840] =	vst v63  }
0x2c: {  	s20 =	simm.s32 @!p0 $0x2  }
0x2d: {  	_ =	swait.ge @!p0 [sflag:s20], $0x9C00  }
0x2e: {  	[sflag:s20] =	ssyncset.done @!p0 $0x0  }
0x2f: {  	[sflag:s20] =	ssyncadd.s32 @!p0 $0xFFFF6400  }
0x30: {  	s30 =	sadd.s32 $0x0, s12;
	[bflag:$0x0] =	sbarrier.arrive $0xFFFF  }
0x31: {  	[tilespmem:s4], [sflag:$0x2] =	stream.linear.gather [hbm4b:s30+s4], $0x50, $0x38;
	[tilespmem:$0x16840] =	vst v63  }
0x32: {  	_ =	swait.ge [sflag:s13], $0x50  }
0x33: {  	[sflag:s13] =	ssyncset.done $0x0  }
0x34: {  	s31 =	sadd.s32 $0x0, s11;
	[sflag:s13] =	ssyncadd.s32 $0xFFFFFFB0  }
0x35: {  	[tilespmem:s14], [sflag:$0x2] =	stream.linear.gather [hbm4b:s31+s4], $0x50, $0x38;
	[tilespmem:$0x16840] =	vst v63  }
0x36: {  	_ =	swait.ge [sflag:s13], $0x50  }
0x37: {  	[sflag:s13] =	ssyncset.done $0x0  }
0x38: {  	[sflag:s13] =	ssyncadd.s32 $0xFFFFFFB0  }
0x39: {  	v7 =	vld [tilespmem:$0xB0]  }
0x3a: {  	v8 =	vld [tilespmem:$0xA0]  }
0x3b: {  	v9 =	vld [tilespmem:$0x80]  }
0x3c: {  	v10 =	vld [tilespmem:$0xC0]  }
0x3d: {  	v12 =	vld [tilespmem:$0x90];
	_ =	sdelay $0x1  }
0x3e: {  	v11 =	vsub.s32 v7, v0  }
0x3f: {  	v13 =	vsub.s32 v8, v0;
	vm0 =	vge.s32 v7, v0;
	v7 =	vsub.s32 v9, v0  }
0x40: {  	vm2 =	vge.s32 v8, v0;
	vm4 =	vge.s32 v9, v0;
	vm12 =	vge.s32 v10, v0  }
0x41: {  	v62 =	vsub.s32 v10, v0;
	vm14 =	vge.s32 v12, v0;
	vm5 =	vlt.s32 v7, $0x1388  }
0x42: {  	vm1 =	vlt.s32 v11, $0x1388;
	vm3 =	vlt.s32 v13, $0x1388;
	vm11 =	vmand vm4, vm5  }
0x43: {  	vm13 =	vlt.s32 v62, $0x1388;
	vm0 =	vmand vm0, vm1;
	v7 =	vsel vm11, v7, v2  }
0x44: {  	vm2 =	vmand vm2, vm3;
	v8 =	vsel vm0, v11, v5;
	[tilespmem:$0x100] =	vst v7;
	v7 =	vsub.s32 v12, v0  }
0x45: {  	v63 =	vsel vm2, v13, v4;
	vm0 =	vmand vm12, vm13;
	[tilespmem:$0x130] =	vst v8;
	vm15 =	vlt.s32 v7, $0x1388  }
0x46: {  	[tilespmem:$0x120] =	vst v63;
	v8 =	vsel vm0, v62, v6;
	vm1 =	vmand vm14, vm15  }
0x47: {  	[tilespmem:$0x140] =	vst v8;
	v7 =	vsel vm1, v7, v3  }
0x48: {  	s20 =	simm.s32 $0xA;
	[tilespmem:$0x110] =	vst v7  }
.LBB2_4:
0x49: {  	[tilespmem:s16], [sflag:$0x1] =	stream.indirect.gather [hbm4b:s1+s15], $0x80, s4, s15, $0xb8;
	[tilespmem:$0x16840] =	vst v63  }
0x4a: {  	s21 =	smov.u32 s20  }
0x4b: {  	p1 =	sne.s32 s20, $0x9BA;
	s20 =	sadd.s32 $0xA, s20;
	_ =	swait.ge [sflag:s17], $0x2800  }
0x4c: {  	[sflag:s17] =	ssyncset.done $0x0  }
0x4d: {  	[sflag:s17] =	ssyncadd.s32 $0xFFFFD800  }
0x4e: {  	[spmem:s3] =	stream.indirect.scatter.add.f32 [tilespmem:s16], [sflag:$0x2], $0x80, s18, s15, $0xb8;
	[tilespmem:$0x16840] =	vst v63  }
0x4f: {  	_ =	swait.ge [sflag:s13], $0x2800  }
0x50: {  	s22 =	sadd.s32 s21, s12;
	[sflag:s13] =	ssyncset.done $0x0  }
0x51: {  	[sflag:s13] =	ssyncadd.s32 $0xFFFFD800  }
0x52: {  	[tilespmem:s4], [sflag:$0x2] =	stream.linear.gather [hbm4b:s22+s4], $0x50, $0x38;
	[tilespmem:$0x16840] =	vst v63  }
0x53: {  	_ =	swait.ge [sflag:s13], $0x50  }
0x54: {  	[sflag:s13] =	ssyncset.done $0x0  }
0x55: {  	s21 =	sadd.s32 s21, s11;
	[sflag:s13] =	ssyncadd.s32 $0xFFFFFFB0  }
0x56: {  	[tilespmem:s14], [sflag:$0x2] =	stream.linear.gather [hbm4b:s21+s4], $0x50, $0x38;
	[tilespmem:$0x16840] =	vst v63  }
0x57: {  	_ =	swait.ge [sflag:s13], $0x50  }
0x58: {  	[sflag:s13] =	ssyncset.done $0x0  }
0x59: {  	[sflag:s13] =	ssyncadd.s32 $0xFFFFFFB0  }
0x5a: {  	v7 =	vld [tilespmem:$0xB0]  }
0x5b: {  	v8 =	vld [tilespmem:$0xA0]  }
0x5c: {  	v9 =	vld [tilespmem:$0x80]  }
0x5d: {  	v10 =	vld [tilespmem:$0x90]  }
0x5e: {  	v11 =	vld [tilespmem:$0xC0]  }
0x5f: {  	v12 =	vsub.s32 v7, v0  }
0x60: {  	vm0 =	vge.s32 v7, v0;
	v13 =	vsub.s32 v8, v0;
	vm1 =	vlt.s32 v12, $0x1388  }
0x61: {  	vm2 =	vge.s32 v8, v0;
	v7 =	vsub.s32 v9, v0;
	vm3 =	vlt.s32 v13, $0x1388  }
0x62: {  	vm4 =	vge.s32 v9, v0;
	vm0 =	vmand vm0, vm1;
	vm5 =	vlt.s32 v7, $0x1388  }
0x63: {  	vm2 =	vmand vm2, vm3;
	vm1 =	vmand vm4, vm5;
	vm3 =	vge.s32 v11, v0  }
0x64: {  	v8 =	vsel vm0, v12, v5;
	v9 =	vsub.s32 v11, v0;
	v7 =	vsel vm1, v7, v2  }
.Ltmp1:
0x65: {  	v11 =	vsel vm2, v13, v4;
	vm0 =	vlt.s32 v9, $0x1388;
	[tilespmem:$0x100] =	vst v7;
	v7 =	vsub.s32 v10, v0;
	(pc) =	sbr.rel @p1 .LBB2_4-.Ltmp1, $4  }
0x66: {  	vm1 =	vge.s32 v10, v0;
	vm0 =	vmand vm3, vm0;
	vm2 =	vlt.s32 v7, $0x1388;
	[tilespmem:$0x130] =	vst v8  }
0x67: {  	v8 =	vsel vm0, v9, v6;
	vm1 =	vmand vm1, vm2;
	[tilespmem:$0x120] =	vst v11  }
0x68: {  	v7 =	vsel vm1, v7, v3;
	[tilespmem:$0x140] =	vst v8  }
0x69: {  	[tilespmem:$0x110] =	vst v7  }
0x6a: {  	[tilespmem:s16], [sflag:$0x1] =	stream.indirect.gather [hbm4b:s1+s15], $0x80, s4, s15, $0xb8;
	[tilespmem:$0x16840] =	vst v63  }
0x6b: {  	_ =	swait.ge [sflag:s17], $0x2800  }
0x6c: {  	[sflag:s17] =	ssyncset.done $0x0  }
0x6d: {  	[sflag:s17] =	ssyncadd.s32 $0xFFFFD800  }
0x6e: {  	[spmem:s3] =	stream.indirect.scatter.add.f32 [tilespmem:s16], [sflag:$0x2], $0x80, s18, s15, $0xb8;
	[tilespmem:$0x16840] =	vst v63  }
0x6f: {  	_ =	swait.ge [sflag:s13], $0x2800  }
0x70: {  	[sflag:s13] =	ssyncset.done $0x0  }
0x71: {  	[sflag:s13] =	ssyncadd.s32 $0xFFFFD800  }
0x72: {  	s20 =	sshrl.u32 @p0 s6, $0x3;
	s21 =	simm.s32 @p0 $0x1FC2;
	[bflag:$0x0] =	sbarrier.arrive $0xFFFF  }
0x73: {  	[hbm:s9], [sflag:s21] =	dma.local @p0 [spmem:s20], $0x1400  }
0x74: {  	s20 =	simm.s32 @p0 $0x2  }
0x75: {  	s19 =	sadd.s32 $0x1, s19;
	_ =	swait.ge @p0 [sflag:s20], $0x1400  }
0x76: {  	p1 =	sne.s32 s19, s10;
	s21 =	sshll.u32 @!p0 s2, $0x6;
	[sflag:s20] =	ssyncset.done @p0 $0x0  }
0x77: {  	[sflag:s20] =	ssyncadd.s32 @p0 $0xFFFFEC00;
	s20 =	sor.u32 @!p0 $0x1C02, s21;
	s21 =	sshrl.u32 @!p0 s5, $0x3  }
0x78: {  	[hbm:s8], [sflag:s20] =	dma.local @!p0 [spmem:s21], $0x1380  }
.Ltmp2:
0x79: {  	_ = 	snop;
	(pc) =	sbr.rel @p1 .LBB2_1-.Ltmp2, $4  }
0x7a: {  	s20 =	simm.s32 @!p0 $0x2  }
0x7b: {  	_ =	swait.ge @!p0 [sflag:s20], $0x1380  }
0x7c: {  	[sflag:s20] =	ssyncset.done @!p0 $0x0  }
0x7d: {  	[sflag:s20] =	ssyncadd.s32 @!p0 $0xFFFFEC80  }
0x7e: {  	_ =	sfence.sel $0x180000  }
0x7f: {  	[bflag:$0x0] =	sbarrier.arrive $0xFFFF  }
0x80: {  	p0 =	sne.s32 s2, $0x0;
	_ =	strace $0x9000004A  }
0x81: {  	s0 =	sadd.s32 @!p0 $0x100000, s0;
	[bflag:$0x2] =	sbarrier.arrive $0xFFFF  }
0x82: {  	[sflag:s0] =	ssyncadd.tile.s32 @!p0 $0x1;
	_ =	shalt  }
.Lfunc_end2:
_tile_overlayer_lowered:
.L_overlay_start_2:
0x83: {  	(tag) =	ssettag $0x2  }
0x84: {  	s0 =	rddreg [dreg:$0x0];
	s2 =	stileid.u32  }
0x85: {  	s1 =	rddreg [dreg:$0x1];
	p0 =	sne.s32 s2, $0x0  }
0x86: {  	s3 =	rddreg [dreg:$0x2];
	[bflag:$0x3] =	sbarrier.arrive $0xFFFF;
	s2 =	simm.s32 @!p0 $0x1C02  }
0x87: {  	[timem:s3], [sflag:s2] =	dma.local @!p0 [hbm:s0], s1  }
0x88: {  	s0 =	simm.s32 @!p0 $0x2  }
0x89: {  	_ =	swait.ge @!p0 [sflag:s0], s1  }
0x8a: {  	s1 =	ssub.s32 @!p0 $0x0, s1;
	[sflag:s0] =	ssyncset.done @!p0 $0x0  }
0x8b: {  	[sflag:s0] =	ssyncadd.s32 @!p0 s1  }
0x8c: {  	[bflag:$0x3] =	sbarrier.arrive $0xFFFF  }
0x8d: {  	_ =	shalt  }

// kernel: kernel.7.cloned.1.call-start
scs
__scs_entry_jumppad:
0x0: {  	(pc) =	sbr.rel $0x88, $3  }
0x1: {  	(tag) =	ssettag $0x0;
	lr =	simm.s32 $0x1  }
0x2: {  	[smem:$0x3F9A] =	sst lr;
	_ =	strace $0xD0000000  }
0x3: {  	_ = 	snop  }
0x4: {  	_ = 	snop  }
0x5: {  	_ = 	snop  }
0x6: {  	_ = 	snop  }
0x7: {  	_ = 	snop  }
__scs_overlays_trampoline_lowered:
0x8: {  	[smem:$0x3FA9] =	sst s0  }
0x9: {  	[smem:$0x3FAA] =	sst s1  }
0xa: {  	[smem:$0x3FAB] =	sst s2  }
0xb: {  	[smem:$0x3FAC] =	sst s3  }
0xc: {  	[smem:$0x3FAD] =	sst s4  }
0xd: {  	[smem:$0x3FAE] =	sst s5  }
0xe: {  	[smem:$0x3FAF] =	sst s6  }
0xf: {  	[smem:$0x3FB0] =	sst s7  }
0x10: {  	[smem:$0x3FB1] =	sst s8  }
0x11: {  	[smem:$0x3FB2] =	sst s9;
	s0 =	simm.s32 @!p0 $0x0  }
0x12: {  	s1 =	sld [smem:$0x3F98];
	s0 =	simm.s32 @p0 $0x1  }
0x13: {  	[smem:$0x3FB3] =	sst s0;
	s0 =	simm.s32 @!p1 $0x0  }
0x14: {  	s2 =	sld [smem:$0x3F97];
	s0 =	simm.s32 @p1 $0x1  }
0x15: {  	[smem:$0x3FB4] =	sst s0;
	s0 =	simm.s32 @!p2 $0x0  }
0x16: {  	s3 =	sld [smem:$0x3FDB];
	s0 =	simm.s32 @p2 $0x1  }
0x17: {  	s4 =	simm.s32 $0x1BF5;
	[smem:$0x3FB6] =	sst s0  }
0x18: {  	s0 =	sld [smem:$0x3F99];
	_ =	swait.ge [sflag:s4], $0x0  }
0x19: {  	s7 =	sld [smem:$0x3F9A]  }
0x1a: {  	s8 =	sadd.s32 $0xFFFFE003, lr  }
0x1b: {  	s9 =	sadd.s32 $0xFFFFFEF7, lr;
	s5 =	simm.s32 $0xFFFFFFFF;
	p2 =	slt.u32 s8, $0xFFFFF086  }
0x1c: {  	p1 =	slt.u32 s9, $0xF7A;
	s5 =	simm.s32 @!p2 $0x0  }
0x1d: {  	s5 =	simm.s32 @p1 $0x1;
	p0 =	seq.s32 s7, s2  }
0x1e: {  	s7 =	smul.u32 @!p0 $0xF7A, s2;
	p2 =	seq.s32 @!p0 s5, $0x0  }
0x1f: {  	s9 =	smul.u32 $0xF7A, s1;
	s8 =	simm.s32 @!p0 $0x1BF5;
	p2 =	por !p2, p0  }
0x20: {  	[sflag:s8] =	ssyncset.s32 @!p0 $0xFFFFF086;
	s6 =	sadd.s32 @!p0 s3, s7;
	s7 =	simm.s32 @!p0 $0x108  }
0x21: {  	s3 =	sadd.s32 s3, s9;
	s6 =	sadd.s32 @!p0 $0x88, s6;
	s7 =	simm.s32 @p2 $0x1082  }
0x22: {  	[simem:s7], [sflag:s8] =	dma.local @!p0 [hbm:s6], $0xF7A  }
0x23: {  	s9 =	sor.u32 $0xD0000000, s2;
	s6 =	simm.s32 $0x108;
	_ =	swait.ge @!p0 [sflag:s8], $0x0  }
0x24: {  	s3 =	sadd.s32 $0x88, s3;
	s6 =	simm.s32 @!p1 $0x1082;
	[sflag:s4] =	ssyncset.s32 $0xFFFFF086  }
0x25: {  	[simem:s6], [sflag:s4] =	dma.local [hbm:s3], $0xF7A  }
0x26: {  	[smem:$0x3F9A] =	sst s1;
	(tag) =	ssettag s2;
	_ =	strace s9  }
0x27: {  	s1 =	sld [smem:$0x3FAA]  }
0x28: {  	s2 =	sld [smem:$0x3FAB]  }
0x29: {  	s4 =	sld [smem:$0x3FAD]  }
0x2a: {  	p0 =	seq.s32 s5, $0x0;
	s5 =	sld [smem:$0x3FAE]  }
0x2b: {  	s6 =	sld [smem:$0x3FAF]  }
0x2c: {  	s7 =	sld [smem:$0x3FB0]  }
0x2d: {  	s3 =	simm.s32 $0x108;
	s8 =	sld [smem:$0x3FB1]  }
0x2e: {  	s3 =	simm.s32 @!p0 $0x1082;
	s9 =	sld [smem:$0x3FB2]  }
0x2f: {  	lr =	sadd.s32 s0, s3;
	s0 =	sld [smem:$0x3FA9]  }
0x30: {  	s3 =	sld [smem:$0x3FAC]  }
0x31: {  	[smem:$0x3FB5] =	sst s10  }
0x32: {  	s10 =	sld [smem:$0x3FB3];
	_ =	sdelay $0x3  }
0x33: {  	p0 =	seq.s32 s10, $0x1;
	s10 =	sld [smem:$0x3FB5];
	_ =	sdelay $0x3  }
0x34: {  	[smem:$0x3FB5] =	sst s10  }
0x35: {  	s10 =	sld [smem:$0x3FB4];
	_ =	sdelay $0x3  }
0x36: {  	p1 =	seq.s32 s10, $0x1;
	s10 =	sld [smem:$0x3FB5];
	_ =	sdelay $0x3  }
0x37: {  	[smem:$0x3FB5] =	sst s10  }
0x38: {  	s10 =	sld [smem:$0x3FB6]  }
0x39: {  	_ = 	snop;
	(pc) =	sbr.ind lr, $3  }
0x3a: {  	_ = 	snop  }
0x3b: {  	_ = 	snop  }
0x3c: {  	p2 =	seq.s32 s10, $0x1;
	s10 =	sld [smem:$0x3FB5]  }
0x3d: {  	_ =	shalt  }
0x3e: {  	_ =	shalt  }
0x3f: {  	_ =	shalt  }
0x40: {  	_ =	shalt  }
0x41: {  	_ =	shalt  }
0x42: {  	_ =	shalt  }
0x43: {  	_ =	shalt  }
0x44: {  	_ =	shalt  }
0x45: {  	_ =	shalt  }
0x46: {  	_ =	shalt  }
0x47: {  	_ =	shalt  }
0x48: {  	_ =	shalt  }
0x49: {  	_ =	shalt  }
0x4a: {  	_ =	shalt  }
0x4b: {  	_ =	shalt  }
0x4c: {  	_ =	shalt  }
0x4d: {  	_ =	shalt  }
0x4e: {  	_ =	shalt  }
0x4f: {  	_ =	shalt  }
0x50: {  	_ =	shalt  }
0x51: {  	_ =	shalt  }
0x52: {  	_ =	shalt  }
0x53: {  	_ =	shalt  }
0x54: {  	_ =	shalt  }
0x55: {  	_ =	shalt  }
0x56: {  	_ =	shalt  }
0x57: {  	_ =	shalt  }
0x58: {  	_ =	shalt  }
0x59: {  	_ =	shalt  }
0x5a: {  	_ =	shalt  }
0x5b: {  	_ =	shalt  }
0x5c: {  	_ =	shalt  }
0x5d: {  	_ =	shalt  }
0x5e: {  	_ =	shalt  }
0x5f: {  	_ =	shalt  }
0x60: {  	_ =	shalt  }
0x61: {  	_ =	shalt  }
0x62: {  	_ =	shalt  }
0x63: {  	_ =	shalt  }
0x64: {  	_ =	shalt  }
0x65: {  	_ =	shalt  }
0x66: {  	_ =	shalt  }
0x67: {  	_ =	shalt  }
0x68: {  	_ =	shalt  }
0x69: {  	_ =	shalt  }
0x6a: {  	_ =	shalt  }
0x6b: {  	_ =	shalt  }
0x6c: {  	_ =	shalt  }
0x6d: {  	_ =	shalt  }
0x6e: {  	_ =	shalt  }
0x6f: {  	_ =	shalt  }
0x70: {  	_ =	shalt  }
0x71: {  	_ =	shalt  }
0x72: {  	_ =	shalt  }
0x73: {  	_ =	shalt  }
0x74: {  	_ =	shalt  }
0x75: {  	_ =	shalt  }
0x76: {  	_ =	shalt  }
0x77: {  	_ =	shalt  }
0x78: {  	_ =	shalt  }
0x79: {  	_ =	shalt  }
0x7a: {  	_ =	shalt  }
0x7b: {  	_ =	shalt  }
0x7c: {  	_ =	shalt  }
0x7d: {  	_ =	shalt  }
0x7e: {  	_ =	shalt  }
0x7f: {  	_ =	shalt  }
0x80: {  	_ =	shalt  }
0x81: {  	_ =	shalt  }
0x82: {  	_ =	shalt  }
0x83: {  	_ =	shalt  }
0x84: {  	_ =	shalt  }
0x85: {  	_ =	shalt  }
0x86: {  	_ =	shalt  }
0x87: {  	_ =	shalt  }
.Lfunc_end0:
.L_simem_size_0:
called_computation_lowered:
.L_overlay_start_0:
0x88: {  	s2 =	sld [smem:$0x3FD9]  }
0x89: {  	s3 =	sld [smem:$0x3FFE];
	_ =	sdelay $0x1  }
0x8a: {  	s1 =	srdreg.scid  }
0x8b: {  	s0 =	sand.u32 $0x1, s1  }
0x8c: {  	s14 =	sshll.u32 s0, $0xA;
	s2 =	sadd.s32 s3, s2  }
0x8d: {  	s2 =	sadd.s32 s2, s14  }
0x8e: {  	[smem:$0x3FC1] =	sst s2  }
0x8f: {  	_ = 	snop  }
0x90: {  	s2 =	sld [smem:$0x3FD0];
	_ =	sdelay $0x2  }
0x91: {  	s15 =	simm.s32 $0xA;
	s4 =	simm.s32 $0x10  }
0x92: {  	[smem:s4], [sflag:s15] =	dma.local [hbm:s2], $0x1  }
0x93: {  	_ =	swait.eq [sflag:s15], $0x1  }
0x94: {  	[sflag:s15] =	ssyncset.done $0x0  }
0x95: {  	[sflag:s15] =	ssyncadd.s32 $0xFFFFFFFF  }
0x96: {  	s16 =	sld [smem:$0x10];
	(tm) =	ssettm $0x1  }
0x97: {  	s17 =	sld [smem:$0x3FFB];
	_ =	sdelay $0x3  }
0x98: {  	_ =	strace s17  }
0x99: {  	s3 =	sld [smem:$0x3FFC];
	_ =	sdelay $0x3  }
0x9a: {  	_ =	strace s3  }
0x9b: {  	s3 =	sld [smem:$0x3FFD];
	_ =	sdelay $0x3  }
0x9c: {  	_ =	strace s3  }
0x9d: {  	_ =	strace $0x8FFFFFFF  }
0x9e: {  	s18 =	sld [smem:$0x3FDB];
	_ =	sdelay $0x1  }
0x9f: {  	s19 =	simm.s32 $_scs_section_size  }
0xa0: {  	s5 =	simm.s32 $_size__tile_overlayer_lowered;
	s6 =	simm.s32 $_tile_overlayer_lowered  }
0xa1: {  	s22 =	simm.s32 $0x1BFF;
	s21 =	sshll.u32 s6, $0x1;
	s3 =	sadd.s32 s19, s18  }
0xa2: {  	s7 =	simm.s32 $0x0;
	s20 =	sshll.u32 s5, $0x1;
	s5 =	sadd.s32 s21, s3  }
0xa3: {  	[timem:s7], [sflag:s22] =	dma.local [hbm:s5], s20  }
0xa4: {  	_ =	swait.ge [sflag:s22], s20  }
0xa5: {  	s4 =	ssub.s32 $0x0, s20;
	[sflag:s22] =	ssyncset.done $0x0  }
0xa6: {  	[sflag:s22] =	ssyncadd.s32 s4;
	_ =	sdelay $0x1  }
0xa7: {  	s23 =	simm.s32 $0x1B8B  }
0xa8: {  	_ =	swait.ge [sflag:s23], $0x1  }
0xa9: {  	[sflag:s23] =	ssyncset.done $0x0  }
0xaa: {  	s25 =	simm.s32 $0x1B8E;
	s24 =	sld [smem:$0x3FFE];
	[sflag:s23] =	ssyncadd.s32 $0xFFFFFFFF  }
0xab: {  	s26 =	simm.s32 $execute0_lowered;
	[smem:$0x3FD2] =	sst s25  }
0xac: {  	s5 =	sshll.u32 s26, $0x1;
	_ =	strace $0x80000046;
	[dreg:$0x1] =	wrdreg $0xFFFFFFFF  }
0xad: {  	s28 =	simm.s32 $_size_execute0_lowered;
	s3 =	sadd.s32 s3, s5;
	[dreg:$0x0] =	wrdreg $0x0  }
0xae: {  	s5 =	sshll.u32 s28, $0x1;
	[dreg:$0x2] =	wrdreg s3  }
0xaf: {  	[dreg:$0x3] =	wrdreg s5  }
0xb0: {  	[dreg:$0x4] =	wrdreg $0xC0  }
0xb1: {  	_ =	task [dreg:s7], $0x5FFFF  }
0xb2: {  	[dreg:$0x1] =	wrdreg $0xFFFFFFFF  }
0xb3: {  	[dreg:$0x0] =	wrdreg $0x60  }
0xb4: {  	[dreg:$0x2] =	wrdreg s24  }
0xb5: {  	[dreg:$0x3] =	wrdreg s16  }
0xb6: {  	[dreg:$0x4] =	wrdreg $0x9  }
0xb7: {  	_ =	task.clear_ibuf [dreg:s7], $0x5FFFF;
	_ =	strace $0x90000046  }
0xb8: {  	s29 =	simm.s32 $0x9;
	_ =	strace $0x80000048  }
0xb9: {  	_ =	swait.ge [sflag:s29], $0x1  }
0xba: {  	[sflag:s29] =	ssyncadd.s32 $0xFFFFFFFF  }
0xbb: {  	_ =	strace $0x90000048  }
0xbc: {  	_ =	sfence  }
0xbd: {  	s30 =	sld [smem:$0x0];
	_ =	sdelay $0x2  }
0xbe: {  	s31 =	sshll.u32 s1, $0xD;
	s1 =	sshrl.u32 s1, $0x2  }
0xbf: {  	s3 =	sand.u32 $0x4000, s31;
	s1 =	sadd.s32 s1, s30  }
0xc0: {  	s0 =	sor.u32 s3, s0;
	s1 =	sshll.u32 s1, $0x11  }
0xc1: {  	s0 =	sor.u32 s1, s0  }
0xc2: {  	s0 =	sadd.s32 $0x8F2B, s0  }
0xc3: {  	[sflag:s0] =	ssyncadd.remote.s32 $0x1  }
0xc4: {  	_ =	sfence.sel $0xFFFF  }
0xc5: {  	[dreg:$0x0] =	wrdreg $0xFFFFFFFF;
	(pc) =	sbr.abs _section_cstart, $3  }
0xc6: {  	[dreg:$0x1] =	wrdreg $0xFFFFFFFF  }
0xc7: {  	_ =	task.clear_ibuf [dreg:s7], $0x2FFFF;
	_ =	strace $0x9FFFFFFF  }
0xc8: {  	(tm) =	ssettm $0x7FFFFFFF  }
0xc9: {  	_ =	shalt  }
tec
execute0_lowered:
.L_overlay_start_1:
0x0: {  	(tag) =	ssettag $0x1  }
0x1: {  	s3 =	rddreg [dreg:$0x0];
	s0 =	srdreg.scid  }
0x2: {  	s4 =	rddreg [dreg:$0x1];
	s1 =	stileid.u32;
	s2 =	simm.s32 $0x0  }
0x3: {  	s5 =	sand.u32 $0x1, s0;
	s0 =	rddreg [dreg:$0x2];
	s7 =	smul.u32 $0x2710, s1  }
0x4: {  	[smem:$0x7FF] =	sst s2;
	s6 =	smul.u32 $0x27100, s5;
	s8 =	sshll.u32 s5, $0x4  }
0x5: {  	s5 =	ssub.s32 $0x2, s5;
	_ =	strace $0x80000047;
	s30 =	sor.u32 s1, s8  }
0x6: {  	s31 =	sshrl.u32 s5, $0x1;
	s6 =	sadd.s32 s7, s6;
	s7 =	smul.u32 $0x4E2, s30  }
0x7: {  	s8 =	simm.s32 $0x0;
	s5 =	ssub.s32 s5, s31;
	s6 =	sshrl.u32 s6, $0x3  }
0x8: {  	s6 =	sadd.s32 s6, s3;
	s3 =	sadd.s32 s4, s7;
	s4 =	smax.u32 s5, $0x1  }
0x9: {  	v0 =	vimm.f32 $0.0e+00;
	v1 =	vimm.f32 $1.000000000e+00;
	s7 =	simm.s32 $0x80;
	s5 =	sadd.s32 $0xC600, s6;
	s6 =	simm.s32 $0x1  }
.LBB2_1:
0xa: {  	s9 =	simm.s32 $0x0  }
.LBB2_2:
0xb: {  	p0 =	sne.s32 s9, $0x9C00  }
.Ltmp0:
0xc: {  	_ = 	snop;
	(pc) =	sbr.rel @p0 .LBB2_2-.Ltmp0, $3  }
0xd: {  	_ =	sdelay $0x1  }
0xe: {  	s10 =	sshra.s32 s9, $0x2  }
0xf: {  	s9 =	sadd.s32 $0x40, s9;
	[tilespmem:s10+$0x80] =	vst v0  }
0x10: {  	s9 =	simm.s32 $0x0  }
.LBB2_4:
0x11: {  	s10 =	sadd.s32 s9, s5  }
0x12: {  	[tilespmem:s2], [sflag:$0x1] =	stream.linear.gather [hbm4b:s10+s2], $0x50, $0x38;
	[tilespmem:$0x2800] =	vst v63  }
0x13: {  	_ =	swait.ge [sflag:s6], $0x50  }
0x14: {  	[sflag:s6] =	ssyncset.done $0x0  }
0x15: {  	[sflag:s6] =	ssyncadd.s32 $0xFFFFFFB0  }
0x16: {  	v2 =	vld [tilespmem:$0x0];
	_ =	sdelay $0x7  }
0x17: {  	[tilespmem:v2+s7+$0x0] =	vst.idx.add.f32.msk $0xffff, v1  }
0x18: {  	v2 =	vld [tilespmem:$0x10];
	_ =	sdelay $0x7  }
0x19: {  	[tilespmem:v2+s7+$0x0] =	vst.idx.add.f32.msk $0xffff, v1  }
0x1a: {  	v2 =	vld [tilespmem:$0x20];
	_ =	sdelay $0x7  }
0x1b: {  	[tilespmem:v2+s7+$0x0] =	vst.idx.add.f32.msk $0xffff, v1  }
0x1c: {  	v2 =	vld [tilespmem:$0x30];
	_ =	sdelay $0x7  }
0x1d: {  	[tilespmem:v2+s7+$0x0] =	vst.idx.add.f32.msk $0xffff, v1  }
0x1e: {  	v2 =	vld [tilespmem:$0x40];
	_ =	sdelay $0x2  }
0x1f: {  	p0 =	sne.s32 s9, $0x4D8  }
.Ltmp1:
0x20: {  	_ = 	snop;
	(pc) =	sbr.rel @p0 .LBB2_4-.Ltmp1, $2  }
0x21: {  	_ =	sdelay $0x2  }
0x22: {  	s9 =	sadd.s32 $0xA, s9;
	[tilespmem:v2+s7+$0x0] =	vst.idx.add.f32.msk $0xffff, v1  }
0x23: {  	s8 =	sadd.s32 $0x1, s8  }
0x24: {  	p0 =	sne.s32 s8, s4  }
.Ltmp2:
0x25: {  	_ = 	snop;
	(pc) =	sbr.rel @p0 .LBB2_1-.Ltmp2, $4  }
0x26: {  	[hbm4b:s3+s2] =	stream.linear.scatter [tilespmem:s7], [sflag:$0x1], $0x2710, $0x38;
	[tilespmem:$0x2800] =	vst v63  }
0x27: {  	_ =	swait.ge [sflag:s6], $0x2710  }
0x28: {  	[sflag:s6] =	ssyncset.done $0x0  }
0x29: {  	[sflag:s6] =	ssyncadd.s32 $0xFFFFD8F0  }
0x2a: {  	_ =	sfence.sel $0x180000  }
0x2b: {  	[bflag:$0x0] =	sbarrier.arrive $0xFFFF  }
0x2c: {  	p0 =	sne.s32 s1, $0x0;
	_ =	strace $0x90000047  }
0x2d: {  	s0 =	sadd.s32 @!p0 $0x100000, s0;
	[bflag:$0x2] =	sbarrier.arrive $0xFFFF  }
0x2e: {  	[sflag:s0] =	ssyncadd.tile.s32 @!p0 $0x1;
	_ =	shalt  }
.Lfunc_end2:
_tile_overlayer_lowered:
.L_overlay_start_2:
0x2f: {  	(tag) =	ssettag $0x2  }
0x30: {  	s0 =	rddreg [dreg:$0x0];
	s2 =	stileid.u32  }
0x31: {  	s1 =	rddreg [dreg:$0x1];
	p0 =	sne.s32 s2, $0x0  }
0x32: {  	s3 =	rddreg [dreg:$0x2];
	[bflag:$0x3] =	sbarrier.arrive $0xFFFF;
	s2 =	simm.s32 @!p0 $0x1C01  }
0x33: {  	[timem:s3], [sflag:s2] =	dma.local @!p0 [hbm:s0], s1  }
0x34: {  	s0 =	simm.s32 @!p0 $0x1  }
0x35: {  	_ =	swait.ge @!p0 [sflag:s0], s1  }
0x36: {  	s1 =	ssub.s32 @!p0 $0x0, s1;
	[sflag:s0] =	ssyncset.done @!p0 $0x0  }
0x37: {  	[sflag:s0] =	ssyncadd.s32 @!p0 s1  }
0x38: {  	[bflag:$0x3] =	sbarrier.arrive $0xFFFF  }
0x39: {  	_ =	shalt  }

</sc_bundles>
